<compile_context>
chip_gen: v7x
topology: tpu7x:2x2x1
jax: 0.10.2.dev20260603
libtpu: 0.0.44.dev20260713+nightly
codegen_flags: <defaults>
</compile_context>

<pallas_src>
import jax
import jax.numpy as jnp
from jax import lax
from jax.experimental import pallas as pl
from jax.experimental.pallas import tpu as pltpu
from jax.experimental.pallas import tpu_sc as plsc

_N = 10000
_NP = 10240
_E = 160000
_DS = 128
_DV = 16
_DES = 32
_HID = 36

_NC = 2
_NS = 16
_NW = _NC * _NS
_EPW = _E // _NW
_CH = 40
_NCHUNK = _EPW // _CH

_EPT4 = _E // _NS
_NCH4 = _EPT4 // _CH
_RPT = _NP // _NS



def _prep_body(ns_ref, whs_ref, pr_ref, pc_ref):
    p = jnp.dot(ns_ref[...], whs_ref[...], preferred_element_type=jnp.float32)
    pr_ref[...] = p[:, :_DS]
    pc_ref[...] = p[:, _DS:]


def _precompute_tables(node_s, whs):
    bn = 2000
    return pl.pallas_call(
        _prep_body,
        grid=(_N // bn,),
        in_specs=[
            pl.BlockSpec((bn, _DS), lambda i: (i, 0)),
            pl.BlockSpec((_DS, 2 * _DS), lambda i: (0, 0)),
        ],
        out_specs=[
            pl.BlockSpec((bn, _DS), lambda i: (i, 0)),
            pl.BlockSpec((bn, _DS), lambda i: (i, 0)),
        ],
        out_shape=[
            jax.ShapeDtypeStruct((_N, _DS), jnp.float32),
            jax.ShapeDtypeStruct((_N, _DS), jnp.float32),
        ],
    )(node_s, whs)



def _gather_body(row_hbm, col_hbm, pr_hbm, pc_hbm, vt_hbm,
                 gpr_hbm, gpc_hbm, gvr_hbm, gvc_hbm,
                 idx_r, idx_c, buf_pr, buf_pc, buf_vr, buf_vc, sem):
    c = lax.axis_index("c")
    s = lax.axis_index("s")
    wid = s * _NC + c

    def step(i, carry):
        base = wid * _EPW + i * _CH
        pltpu.sync_copy(row_hbm.at[pl.ds(base, _CH)], idx_r)
        pltpu.sync_copy(col_hbm.at[pl.ds(base, _CH)], idx_c)
        cp1 = pltpu.async_copy(pr_hbm.at[idx_r], buf_pr, sem)
        cp2 = pltpu.async_copy(pc_hbm.at[idx_c], buf_pc, sem)
        cp3 = pltpu.async_copy(vt_hbm.at[idx_r], buf_vr, sem)
        cp4 = pltpu.async_copy(vt_hbm.at[idx_c], buf_vc, sem)
        cp1.wait()
        cp2.wait()
        cp3.wait()
        cp4.wait()
        pltpu.sync_copy(buf_pr, gpr_hbm.at[pl.ds(base, _CH)])
        pltpu.sync_copy(buf_pc, gpc_hbm.at[pl.ds(base, _CH)])
        pltpu.sync_copy(buf_vr, gvr_hbm.at[pl.ds(base, _CH)])
        pltpu.sync_copy(buf_vc, gvc_hbm.at[pl.ds(base, _CH)])
        return carry

    lax.fori_loop(0, _NCHUNK, step, 0)


def _gather_edges(row, col, p_r, p_c, vt):
    mesh = plsc.VectorSubcoreMesh(core_axis_name="c", subcore_axis_name="s",
                                  num_cores=_NC, num_subcores=_NS)
    call = pl.kernel(
        _gather_body,
        out_type=(
            jax.ShapeDtypeStruct((_E, _DS), jnp.float32),
            jax.ShapeDtypeStruct((_E, _DS), jnp.float32),
            jax.ShapeDtypeStruct((_E, _DS), jnp.float32),
            jax.ShapeDtypeStruct((_E, _DS), jnp.float32),
        ),
        mesh=mesh,
        scratch_types=[
            pltpu.VMEM((_CH,), jnp.int32),
            pltpu.VMEM((_CH,), jnp.int32),
            pltpu.VMEM((_CH, _DS), jnp.float32),
            pltpu.VMEM((_CH, _DS), jnp.float32),
            pltpu.VMEM((_CH, _DS), jnp.float32),
            pltpu.VMEM((_CH, _DS), jnp.float32),
            pltpu.SemaphoreType.DMA,
        ],
    )
    return call(row, col, p_r, p_c, vt)



_B3 = 1000


def _edge_body(gpr, gpc, gvr, gvc, es, evt, fr,
               wbr, wbc, wbe, wes, wvn, wscal, bs, wg, bg, out):
    m = []
    nrm2 = None
    for a in range(3):
        ma = jnp.dot(gvr[:, 16 * a:16 * a + 16], wbr[...],
                     preferred_element_type=jnp.float32)
        ma = ma + jnp.dot(gvc[:, 16 * a:16 * a + 16], wbc[...],
                          preferred_element_type=jnp.float32)
        ma = ma + jnp.dot(evt[:, 4 * a:4 * a + 4], wbe[...],
                          preferred_element_type=jnp.float32)
        m.append(ma)
        sq = ma[:, :_HID] * ma[:, :_HID]
        nrm2 = sq if nrm2 is None else nrm2 + sq
    vnorm = jnp.sqrt(nrm2 + 1e-8)
    slin = gpr[...] + gpc[...] + bs[...]
    slin = slin + jnp.dot(es[...], wes[...], preferred_element_type=jnp.float32)
    slin = slin + jnp.dot(vnorm, wvn[...], preferred_element_type=jnp.float32)
    for cc in range(3):
        for aa in range(3):
            t = m[0][:, _HID + cc:_HID + cc + 1] * fr[:, 3 * aa:3 * aa + 1]
            t = t + m[1][:, _HID + cc:_HID + cc + 1] * fr[:, 3 * aa + 1:3 * aa + 2]
            t = t + m[2][:, _HID + cc:_HID + cc + 1] * fr[:, 3 * aa + 2:3 * aa + 3]
            slin = slin + t * wscal[3 * cc + aa:3 * cc + aa + 1, :]
    sact = slin * jax.nn.sigmoid(slin)
    gate = jax.nn.sigmoid(
        jnp.dot(sact, wg[...], preferred_element_type=jnp.float32) + bg[...])
    out[0] = sact
    vparts = [m[a][:, 39:39 + _DV] * gate for a in range(3)]
    vparts.append(jnp.zeros((sact.shape[0], _DS - 3 * _DV), jnp.float32))
    out[1] = jnp.concatenate(vparts, axis=1)


def _edge_compute(gpr, gpc, gvr, gvc, edge_s, evt, fr,
                  wbr, wbc, wbe, wes, wvn, wscal, bs, wg, bg):
    full = lambda shape: pl.BlockSpec(shape, lambda i: tuple(0 for _ in shape))
    return pl.pallas_call(
        _edge_body,
        grid=(_E // _B3,),
        in_specs=[
            pl.BlockSpec((_B3, _DS), lambda i: (i, 0)),
            pl.BlockSpec((_B3, _DS), lambda i: (i, 0)),
            pl.BlockSpec((_B3, _DS), lambda i: (i, 0)),
            pl.BlockSpec((_B3, _DS), lambda i: (i, 0)),
            pl.BlockSpec((_B3, _DES), lambda i: (i, 0)),
            pl.BlockSpec((_B3, 12), lambda i: (i, 0)),
            pl.BlockSpec((_B3, 9), lambda i: (i, 0)),
            full((16, 55)),
            full((16, 55)),
            full((4, 55)),
            full((_DES, _DS)),
            full((_HID, _DS)),
            full((9, _DS)),
            full((1, _DS)),
            full((_DS, _DV)),
            full((1, _DV)),
        ],
        out_specs=pl.BlockSpec((2, _B3, _DS), lambda i: (0, i, 0)),
        out_shape=jax.ShapeDtypeStruct((2, _E, _DS), jnp.float32),
    )(gpr, gpc, gvr, gvc, edge_s, evt, fr,
      wbr, wbc, wbe, wes, wvn, wscal, bs, wg, bg)



def _scatter_body(fsv_hbm, row_hbm, part_hbm, acc_sh, zbuf, buf, idx_v, sem):
    c = lax.axis_index("c")
    s = lax.axis_index("s")

    def zstore(i, carry):
        for j in range(_DS // 16):
            zbuf[i, pl.ds(j * 16, 16)] = jnp.zeros((16,), jnp.float32)
        return carry

    lax.fori_loop(0, _CH, zstore, 0)

    def zcopy(k, carry):
        pltpu.sync_copy(zbuf, acc_sh.at[pl.ds(s * _RPT + k * _CH, _CH)])
        return carry

    lax.fori_loop(0, _RPT // _CH, zcopy, 0)
    plsc.subcore_barrier()

    def step(i, carry):
        base = s * _EPT4 + i * _CH
        pltpu.sync_copy(row_hbm.at[pl.ds(base, _CH)], idx_v)
        pltpu.sync_copy(fsv_hbm.at[c, pl.ds(base, _CH)], buf)
        pltpu.sync_copy(buf, acc_sh.at[idx_v], add=True)
        return carry

    lax.fori_loop(0, _NCH4, step, 0)
    plsc.subcore_barrier()
    pltpu.sync_copy(acc_sh.at[pl.ds(s * _RPT, _RPT)],
                    part_hbm.at[c, pl.ds(s * _RPT, _RPT)])


def _scatter_edges(fsv, row):
    mesh = plsc.VectorSubcoreMesh(core_axis_name="c", subcore_axis_name="s",
                                  num_cores=_NC, num_subcores=_NS)
    call = pl.kernel(
        _scatter_body,
        out_type=jax.ShapeDtypeStruct((_NC, _NP, _DS), jnp.float32),
        mesh=mesh,
        scratch_types=[
            pltpu.VMEM_SHARED((_NP, _DS), jnp.float32),
            pltpu.VMEM((_CH, _DS), jnp.float32),
            pltpu.VMEM((_CH, _DS), jnp.float32),
            pltpu.VMEM((_CH,), jnp.int32),
            pltpu.SemaphoreType.DMA,
        ],
    )
    return call(fsv, row)



def _final_body(ps_ref, pv_ref, outs_ref, outv_ref):
    outs_ref[...] = ps_ref[0]
    v = pv_ref[0][:, :3 * _DV].reshape(ps_ref.shape[1], 3, _DV)
    outv_ref[...] = jnp.swapaxes(v, 1, 2)


def _combine(part):
    bn = 400
    return pl.pallas_call(
        _final_body,
        grid=(_N // bn,),
        in_specs=[
            pl.BlockSpec((1, bn, _DS), lambda i: (0, i, 0)),
            pl.BlockSpec((1, bn, _DS), lambda i: (1, i, 0)),
        ],
        out_specs=[
            pl.BlockSpec((bn, _DS), lambda i: (i, 0)),
            pl.BlockSpec((bn, _DV, 3), lambda i: (i, 0, 0)),
        ],
        out_shape=[
            jax.ShapeDtypeStruct((_N, _DS), jnp.float32),
            jax.ShapeDtypeStruct((_N, _DV, 3), jnp.float32),
        ],
    )(part, part)



@jax.jit
def _run(node_s, node_v, edge_s, edge_v, frames, W_vdown, W_vframes,
         W_sout, b_sout, W_vup, W_gate, b_gate, edge_index):
    row = edge_index[0]
    col = edge_index[1]

    whs = jnp.concatenate([W_sout[:_DS], W_sout[_DS:2 * _DS]], axis=1)
    w_upf = W_vdown @ W_vup
    w_big = jnp.concatenate([W_vdown, W_vframes, w_upf], axis=1)
    wbr = w_big[:_DV]
    wbc = w_big[_DV:2 * _DV]
    wbe = w_big[2 * _DV:]
    wes = W_sout[2 * _DS:2 * _DS + _DES]
    wvn = W_sout[2 * _DS + _DES:2 * _DS + _DES + _HID]
    wscal = W_sout[2 * _DS + _DES + _HID:]
    bs = b_sout.reshape(1, _DS)
    bg = b_gate.reshape(1, _DV)

    vt = jnp.swapaxes(node_v, 1, 2).reshape(_N, 3 * _DV)
    vt = jnp.pad(vt, ((0, 0), (0, _DS - 3 * _DV)))
    evt = jnp.swapaxes(edge_v, 1, 2).reshape(_E, 12)
    fr = frames.reshape(_E, 9)

    p_r, p_c = _precompute_tables(node_s, whs)
    gpr, gpc, gvr, gvc = _gather_edges(row, col, p_r, p_c, vt)
    fsv = _edge_compute(gpr, gpc, gvr, gvc, edge_s, evt, fr,
                        wbr, wbc, wbe, wes, wvn, wscal, bs, W_gate, bg)
    part = _scatter_edges(fsv, row)
    agg_s, agg_v = _combine(part)
    return agg_s, agg_v


def kernel(node_s, node_v, edge_s, edge_v, frames, W_vdown, W_vframes,
           W_sout, b_sout, W_vup, W_gate, b_gate, edge_index):
    return _run(node_s, node_v, edge_s, edge_v, frames, W_vdown, W_vframes,
                W_sout, b_sout, W_vup, W_gate, b_gate, edge_index)

# --- scband reference (transcript-rebuilt; emitter-appended) ---
"""Pipeline reference for scband-gcpmessage-passing-32083405701170 (READ-ONLY COPY).

The authoritative reference and input builder live on the scoring server;
editing this copy changes nothing except your own understanding.
"""

import jax, jax.numpy as jnp
import numpy as np

N = 10000
E = 160000
DS = 128
DV = 16
DES = 32
DEV = 4
SVO = 3
S_IN = 2 * DS + DES          # 288 scalar message input dim
V_IN = 2 * DV + DEV          # 36 vector message input channels
HID = max(V_IN, DV)          # bottleneck=1 -> hidden = max(v_in, v_out) = 36
S_MERGED = S_IN + HID + SVO * 3  # 333


def silu(x):
    return x * jax.nn.sigmoid(x)


def setup_inputs(seed: int = 0) -> dict:
    key = jax.random.key(seed)
    ks = jax.random.split(key, 12)
    node_s = jax.random.normal(ks[0], (N, DS), dtype=jnp.float32)
    node_v = jax.random.normal(ks[1], (N, DV, 3), dtype=jnp.float32)
    edge_s = jax.random.normal(ks[2], (E, DES), dtype=jnp.float32)
    edge_v = jax.random.normal(ks[3], (E, DEV, 3), dtype=jnp.float32)
    edge_index = jax.random.randint(ks[4], (2, E), 0, N, dtype=jnp.int32)
    frames = jax.random.normal(ks[5], (E, 3, 3), dtype=jnp.float32)
    # GCP learned parameters (vector_down / vector_down_frames / scalar_out / vector_up / vector_out_scale)
    W_vdown = jax.random.normal(ks[6], (V_IN, HID), dtype=jnp.float32) / np.sqrt(V_IN)
    W_vframes = jax.random.normal(ks[7], (V_IN, SVO), dtype=jnp.float32) / np.sqrt(V_IN)
    W_sout = jax.random.normal(ks[8], (S_MERGED, DS), dtype=jnp.float32) / np.sqrt(S_MERGED)
    b_sout = jnp.zeros((DS,), dtype=jnp.float32)
    W_vup = jax.random.normal(ks[9], (HID, DV), dtype=jnp.float32) / np.sqrt(HID)
    W_gate = jax.random.normal(ks[10], (DS, DV), dtype=jnp.float32) / np.sqrt(DS)
    b_gate = jnp.zeros((DV,), dtype=jnp.float32)
    return {
        'node_s': node_s, 'node_v': node_v, 'edge_s': edge_s, 'edge_v': edge_v,
        'frames': frames, 'W_vdown': W_vdown, 'W_vframes': W_vframes,
        'W_sout': W_sout, 'b_sout': b_sout, 'W_vup': W_vup,
        'W_gate': W_gate, 'b_gate': b_gate, 'edge_index': edge_index,
    }


def reference(node_s, node_v, edge_s, edge_v, frames, W_vdown, W_vframes,
              W_sout, b_sout, W_vup, W_gate, b_gate, edge_index):
    row = edge_index[0]  # destination nodes (matches _build_cugraph_cache: dest = row)
    col = edge_index[1]  # source nodes
    # ---- build per-edge message inputs (gather: SparseCore-mappable) ----
    s_cat = jnp.concatenate([jnp.take(node_s, row, axis=0),
                             jnp.take(node_s, col, axis=0),
                             edge_s], axis=-1)                      # [E, S_IN]
    v_cat = jnp.concatenate([jnp.take(node_v, row, axis=0),
                             jnp.take(node_v, col, axis=0),
                             edge_v], axis=1)                        # [E, V_IN, 3]
    # ---- GCP message function ----
    v_pre = jnp.swapaxes(v_cat, -1, -2)                              # [E, 3, V_IN]
    v_hidden = v_pre @ W_vdown                                       # [E, 3, HID]
    v_norm = jnp.sqrt(jnp.sum(v_hidden ** 2, axis=-2) + 1e-8)        # [E, HID]
    merged = jnp.concatenate([s_cat, v_norm], axis=-1)
    # scalarization via local frames
    v_frames = v_pre @ W_vframes                                     # [E, 3, SVO]
    v_frames_t = jnp.swapaxes(v_frames, -1, -2)                      # [E, SVO, 3]
    scal = jnp.einsum('eci,eai->eca', v_frames_t, frames).reshape(E, SVO * 3)
    merged = jnp.concatenate([merged, scal], axis=-1)                # [E, S_MERGED]
    s_out = merged @ W_sout + b_sout                                 # [E, DS]
    # vectorization with vector gate
    v_up = v_hidden @ W_vup                                          # [E, 3, DV]
    v_out = jnp.swapaxes(v_up, -1, -2)                               # [E, DV, 3]
    gate = jax.nn.sigmoid(silu(s_out) @ W_gate + b_gate)             # [E, DV]
    v_out = v_out * gate[:, :, None]
    s_out = silu(s_out)
    # ---- simple e2n sum aggregation (equivalent of _CuGraphSimpleE2N) ----
    agg_s = jax.ops.segment_sum(s_out, row, num_segments=N)          # [N, DS]
    agg_v = jax.ops.segment_sum(v_out, row, num_segments=N)          # [N, DV, 3]
    return (agg_s, agg_v)

if __name__ == "__main__":
    import jax
    _d = setup_inputs()
    print(jax.jit(kernel)(*tuple(_d.values())))

</pallas_src>

<mosaic_0001>
#map = affine_map<(d0, d1) -> (0)>
#map1 = affine_map<(d0, d1) -> (0, 0)>
module attributes {stable_mosaic.version = 14 : i64} {
  func.func @_gather_body(%arg0: i32, %arg1: i32, %arg2: memref<160000xi32, #tpu.memory_space<hbm>>, %arg3: memref<160000xi32, #tpu.memory_space<hbm>>, %arg4: memref<10000x128xf32, #tpu.memory_space<hbm>>, %arg5: memref<10000x128xf32, #tpu.memory_space<hbm>>, %arg6: memref<10000x128xf32, #tpu.memory_space<hbm>>, %arg7: memref<160000x128xf32, #tpu.memory_space<hbm>>, %arg8: memref<160000x128xf32, #tpu.memory_space<hbm>>, %arg9: memref<160000x128xf32, #tpu.memory_space<hbm>>, %arg10: memref<160000x128xf32, #tpu.memory_space<hbm>>, %arg11: memref<40xi32, #tpu.memory_space<vmem>>, %arg12: memref<40xi32, #tpu.memory_space<vmem>>, %arg13: memref<40x128xf32, #tpu.memory_space<vmem>>, %arg14: memref<40x128xf32, #tpu.memory_space<vmem>>, %arg15: memref<40x128xf32, #tpu.memory_space<vmem>>, %arg16: memref<40x128xf32, #tpu.memory_space<vmem>>, %arg17: memref<!tpu.dma_semaphore, #tpu.memory_space<semaphore_mem>>) attributes {dimension_semantics = [#tpu.dimension_semantics<core_parallel>, #tpu.dimension_semantics<subcore_parallel>], iteration_bounds = array<i64: 2, 16>, scalar_prefetch = 0 : i64, scratch_operands = 7 : i64, tpu.core_type = #tpu.core_type<sc_vector_subcore>, window_params = [{transform_indices = #map}, {transform_indices = #map}, {transform_indices = #map1}, {transform_indices = #map1}, {transform_indices = #map1}, {transform_indices = #map1}, {transform_indices = #map1}, {transform_indices = #map1}, {transform_indices = #map1}]} {
    %mul3A = arith.constant 2 : i32
    %mul3A_0 = arith.muli %arg1, %mul3A : i32
    %add3A = arith.addi %mul3A_0, %arg0 : i32
    %scan3A = arith.constant 0 : i32
    %scan3A_1 = arith.constant 0 : i32
    %scan3A_2 = arith.constant 125 : i32
    %scan3A_3 = arith.addi %scan3A_1, %scan3A_2 : i32
    %scan3A_4 = arith.constant 1 : i32
    scf.for %scan3A_6 = %scan3A_1 to %scan3A_3 step %scan3A_4  : i32 {
      %mul3A_7 = arith.constant 5000 : i32
      %mul3A_8 = arith.muli %add3A, %mul3A_7 : i32
      %mul3A_9 = arith.constant 40 : i32
      %mul3A_10 = arith.muli %scan3A_6, %mul3A_9 : i32
      %add3A_11 = arith.addi %mul3A_8, %mul3A_10 : i32
      "tpu.region"() ({
        %run_scoped3A = tpu.sem_alloc : memref<!tpu.dma_semaphore, #tpu.memory_space<semaphore_mem>>
        %dma_start3A_34 = tpu.memref_slice %arg2[%add3A_11] : memref<160000xi32, #tpu.memory_space<hbm>> -> memref<40xi32, #tpu.memory_space<hbm>>
        %dma_start3A_35 = tpu.memref_slice %arg2[%add3A_11] : memref<160000xi32, #tpu.memory_space<hbm>> -> memref<40xi32, #tpu.memory_space<hbm>>
        tpu.enqueue_dma source(%dma_start3A_35 : memref<40xi32, #tpu.memory_space<hbm>>) target(%arg11 : memref<40xi32, #tpu.memory_space<vmem>>) target_semaphore(%run_scoped3A : memref<!tpu.dma_semaphore, #tpu.memory_space<semaphore_mem>>)
        %dma_wait3A_36 = tpu.memref_slice %arg2[%add3A_11] : memref<160000xi32, #tpu.memory_space<hbm>> -> memref<40xi32, #tpu.memory_space<hbm>>
        %dma_wait3A_37 = tpu.memref_slice %arg2[%add3A_11] : memref<160000xi32, #tpu.memory_space<hbm>> -> memref<40xi32, #tpu.memory_space<hbm>>
        tpu.wait_dma2 semaphore(%run_scoped3A : memref<!tpu.dma_semaphore, #tpu.memory_space<semaphore_mem>>) src(%dma_wait3A_37 : memref<40xi32, #tpu.memory_space<hbm>>) dst(%arg11 : memref<40xi32, #tpu.memory_space<vmem>>)
        tpu.yield
      }) : () -> ()
      "tpu.region"() ({
        %run_scoped3A = tpu.sem_alloc : memref<!tpu.dma_semaphore, #tpu.memory_space<semaphore_mem>>
        %dma_start3A_34 = tpu.memref_slice %arg3[%add3A_11] : memref<160000xi32, #tpu.memory_space<hbm>> -> memref<40xi32, #tpu.memory_space<hbm>>
        %dma_start3A_35 = tpu.memref_slice %arg3[%add3A_11] : memref<160000xi32, #tpu.memory_space<hbm>> -> memref<40xi32, #tpu.memory_space<hbm>>
        tpu.enqueue_dma source(%dma_start3A_35 : memref<40xi32, #tpu.memory_space<hbm>>) target(%arg12 : memref<40xi32, #tpu.memory_space<vmem>>) target_semaphore(%run_scoped3A : memref<!tpu.dma_semaphore, #tpu.memory_space<semaphore_mem>>)
        %dma_wait3A_36 = tpu.memref_slice %arg3[%add3A_11] : memref<160000xi32, #tpu.memory_space<hbm>> -> memref<40xi32, #tpu.memory_space<hbm>>
        %dma_wait3A_37 = tpu.memref_slice %arg3[%add3A_11] : memref<160000xi32, #tpu.memory_space<hbm>> -> memref<40xi32, #tpu.memory_space<hbm>>
        tpu.wait_dma2 semaphore(%run_scoped3A : memref<!tpu.dma_semaphore, #tpu.memory_space<semaphore_mem>>) src(%dma_wait3A_37 : memref<40xi32, #tpu.memory_space<hbm>>) dst(%arg12 : memref<40xi32, #tpu.memory_space<vmem>>)
        tpu.yield
      }) : () -> ()
      %dma_start3A = arith.constant 0 : i32
      %dma_start3A_12 = arith.constant 0 : i32
      %dma_start3A_13 = tpu.memref_slice %arg4[%dma_start3A, %dma_start3A_12] : memref<10000x128xf32, #tpu.memory_space<hbm>> -> memref<10000x128xf32, #tpu.memory_space<hbm>>
      tpu.enqueue_indirect_dma source(%dma_start3A_13 : memref<10000x128xf32, #tpu.memory_space<hbm>>) target(%arg13 : memref<40x128xf32, #tpu.memory_space<vmem>>) offsets(%arg11 : memref<40xi32, #tpu.memory_space<vmem>>) semaphore(%arg17 : memref<!tpu.dma_semaphore, #tpu.memory_space<semaphore_mem>>)
      %dma_start3A_14 = arith.constant 0 : i32
      %dma_start3A_15 = arith.constant 0 : i32
      %dma_start3A_16 = tpu.memref_slice %arg5[%dma_start3A_14, %dma_start3A_15] : memref<10000x128xf32, #tpu.memory_space<hbm>> -> memref<10000x128xf32, #tpu.memory_space<hbm>>
      tpu.enqueue_indirect_dma source(%dma_start3A_16 : memref<10000x128xf32, #tpu.memory_space<hbm>>) target(%arg14 : memref<40x128xf32, #tpu.memory_space<vmem>>) offsets(%arg12 : memref<40xi32, #tpu.memory_space<vmem>>) semaphore(%arg17 : memref<!tpu.dma_semaphore, #tpu.memory_space<semaphore_mem>>)
      %dma_start3A_17 = arith.constant 0 : i32
      %dma_start3A_18 = arith.constant 0 : i32
      %dma_start3A_19 = tpu.memref_slice %arg6[%dma_start3A_17, %dma_start3A_18] : memref<10000x128xf32, #tpu.memory_space<hbm>> -> memref<10000x128xf32, #tpu.memory_space<hbm>>
      tpu.enqueue_indirect_dma source(%dma_start3A_19 : memref<10000x128xf32, #tpu.memory_space<hbm>>) target(%arg15 : memref<40x128xf32, #tpu.memory_space<vmem>>) offsets(%arg11 : memref<40xi32, #tpu.memory_space<vmem>>) semaphore(%arg17 : memref<!tpu.dma_semaphore, #tpu.memory_space<semaphore_mem>>)
      %dma_start3A_20 = arith.constant 0 : i32
      %dma_start3A_21 = arith.constant 0 : i32
      %dma_start3A_22 = tpu.memref_slice %arg6[%dma_start3A_20, %dma_start3A_21] : memref<10000x128xf32, #tpu.memory_space<hbm>> -> memref<10000x128xf32, #tpu.memory_space<hbm>>
      tpu.enqueue_indirect_dma source(%dma_start3A_22 : memref<10000x128xf32, #tpu.memory_space<hbm>>) target(%arg16 : memref<40x128xf32, #tpu.memory_space<vmem>>) offsets(%arg12 : memref<40xi32, #tpu.memory_space<vmem>>) semaphore(%arg17 : memref<!tpu.dma_semaphore, #tpu.memory_space<semaphore_mem>>)
      %dma_wait3A = arith.constant 0 : i32
      %dma_wait3A_23 = arith.constant 0 : i32
      %dma_wait3A_24 = tpu.memref_slice %arg4[%dma_wait3A, %dma_wait3A_23] : memref<10000x128xf32, #tpu.memory_space<hbm>> -> memref<10000x128xf32, #tpu.memory_space<hbm>>
      tpu.wait_indirect_dma semaphore(%arg17 : memref<!tpu.dma_semaphore, #tpu.memory_space<semaphore_mem>>) src(%dma_wait3A_24 : memref<10000x128xf32, #tpu.memory_space<hbm>>) dst(%arg13 : memref<40x128xf32, #tpu.memory_space<vmem>>)
      %dma_wait3A_25 = arith.constant 0 : i32
      %dma_wait3A_26 = arith.constant 0 : i32
      %dma_wait3A_27 = tpu.memref_slice %arg5[%dma_wait3A_25, %dma_wait3A_26] : memref<10000x128xf32, #tpu.memory_space<hbm>> -> memref<10000x128xf32, #tpu.memory_space<hbm>>
      tpu.wait_indirect_dma semaphore(%arg17 : memref<!tpu.dma_semaphore, #tpu.memory_space<semaphore_mem>>) src(%dma_wait3A_27 : memref<10000x128xf32, #tpu.memory_space<hbm>>) dst(%arg14 : memref<40x128xf32, #tpu.memory_space<vmem>>)
      %dma_wait3A_28 = arith.constant 0 : i32
      %dma_wait3A_29 = arith.constant 0 : i32
      %dma_wait3A_30 = tpu.memref_slice %arg6[%dma_wait3A_28, %dma_wait3A_29] : memref<10000x128xf32, #tpu.memory_space<hbm>> -> memref<10000x128xf32, #tpu.memory_space<hbm>>
      tpu.wait_indirect_dma semaphore(%arg17 : memref<!tpu.dma_semaphore, #tpu.memory_space<semaphore_mem>>) src(%dma_wait3A_30 : memref<10000x128xf32, #tpu.memory_space<hbm>>) dst(%arg15 : memref<40x128xf32, #tpu.memory_space<vmem>>)
      %dma_wait3A_31 = arith.constant 0 : i32
      %dma_wait3A_32 = arith.constant 0 : i32
      %dma_wait3A_33 = tpu.memref_slice %arg6[%dma_wait3A_31, %dma_wait3A_32] : memref<10000x128xf32, #tpu.memory_space<hbm>> -> memref<10000x128xf32, #tpu.memory_space<hbm>>
      tpu.wait_indirect_dma semaphore(%arg17 : memref<!tpu.dma_semaphore, #tpu.memory_space<semaphore_mem>>) src(%dma_wait3A_33 : memref<10000x128xf32, #tpu.memory_space<hbm>>) dst(%arg16 : memref<40x128xf32, #tpu.memory_space<vmem>>)
      "tpu.region"() ({
        %run_scoped3A = tpu.sem_alloc : memref<!tpu.dma_semaphore, #tpu.memory_space<semaphore_mem>>
        %dma_start3A_34 = arith.constant 0 : i32
        %dma_start3A_35 = tpu.memref_slice %arg7[%add3A_11, %dma_start3A_34] : memref<160000x128xf32, #tpu.memory_space<hbm>> -> memref<40x128xf32, #tpu.memory_space<hbm>>
        %dma_start3A_36 = arith.constant 0 : i32
        %dma_start3A_37 = tpu.memref_slice %arg7[%add3A_11, %dma_start3A_36] : memref<160000x128xf32, #tpu.memory_space<hbm>> -> memref<40x128xf32, #tpu.memory_space<hbm>>
        tpu.enqueue_dma source(%arg13 : memref<40x128xf32, #tpu.memory_space<vmem>>) target(%dma_start3A_37 : memref<40x128xf32, #tpu.memory_space<hbm>>) target_semaphore(%run_scoped3A : memref<!tpu.dma_semaphore, #tpu.memory_space<semaphore_mem>>)
        %dma_wait3A_38 = arith.constant 0 : i32
        %dma_wait3A_39 = tpu.memref_slice %arg7[%add3A_11, %dma_wait3A_38] : memref<160000x128xf32, #tpu.memory_space<hbm>> -> memref<40x128xf32, #tpu.memory_space<hbm>>
        %dma_wait3A_40 = arith.constant 0 : i32
        %dma_wait3A_41 = tpu.memref_slice %arg7[%add3A_11, %dma_wait3A_40] : memref<160000x128xf32, #tpu.memory_space<hbm>> -> memref<40x128xf32, #tpu.memory_space<hbm>>
        tpu.wait_dma2 semaphore(%run_scoped3A : memref<!tpu.dma_semaphore, #tpu.memory_space<semaphore_mem>>) src(%arg13 : memref<40x128xf32, #tpu.memory_space<vmem>>) dst(%dma_wait3A_41 : memref<40x128xf32, #tpu.memory_space<hbm>>)
        tpu.yield
      }) : () -> ()
      "tpu.region"() ({
        %run_scoped3A = tpu.sem_alloc : memref<!tpu.dma_semaphore, #tpu.memory_space<semaphore_mem>>
        %dma_start3A_34 = arith.constant 0 : i32
        %dma_start3A_35 = tpu.memref_slice %arg8[%add3A_11, %dma_start3A_34] : memref<160000x128xf32, #tpu.memory_space<hbm>> -> memref<40x128xf32, #tpu.memory_space<hbm>>
        %dma_start3A_36 = arith.constant 0 : i32
        %dma_start3A_37 = tpu.memref_slice %arg8[%add3A_11, %dma_start3A_36] : memref<160000x128xf32, #tpu.memory_space<hbm>> -> memref<40x128xf32, #tpu.memory_space<hbm>>
        tpu.enqueue_dma source(%arg14 : memref<40x128xf32, #tpu.memory_space<vmem>>) target(%dma_start3A_37 : memref<40x128xf32, #tpu.memory_space<hbm>>) target_semaphore(%run_scoped3A : memref<!tpu.dma_semaphore, #tpu.memory_space<semaphore_mem>>)
        %dma_wait3A_38 = arith.constant 0 : i32
        %dma_wait3A_39 = tpu.memref_slice %arg8[%add3A_11, %dma_wait3A_38] : memref<160000x128xf32, #tpu.memory_space<hbm>> -> memref<40x128xf32, #tpu.memory_space<hbm>>
        %dma_wait3A_40 = arith.constant 0 : i32
        %dma_wait3A_41 = tpu.memref_slice %arg8[%add3A_11, %dma_wait3A_40] : memref<160000x128xf32, #tpu.memory_space<hbm>> -> memref<40x128xf32, #tpu.memory_space<hbm>>
        tpu.wait_dma2 semaphore(%run_scoped3A : memref<!tpu.dma_semaphore, #tpu.memory_space<semaphore_mem>>) src(%arg14 : memref<40x128xf32, #tpu.memory_space<vmem>>) dst(%dma_wait3A_41 : memref<40x128xf32, #tpu.memory_space<hbm>>)
        tpu.yield
      }) : () -> ()
      "tpu.region"() ({
        %run_scoped3A = tpu.sem_alloc : memref<!tpu.dma_semaphore, #tpu.memory_space<semaphore_mem>>
        %dma_start3A_34 = arith.constant 0 : i32
        %dma_start3A_35 = tpu.memref_slice %arg9[%add3A_11, %dma_start3A_34] : memref<160000x128xf32, #tpu.memory_space<hbm>> -> memref<40x128xf32, #tpu.memory_space<hbm>>
        %dma_start3A_36 = arith.constant 0 : i32
        %dma_start3A_37 = tpu.memref_slice %arg9[%add3A_11, %dma_start3A_36] : memref<160000x128xf32, #tpu.memory_space<hbm>> -> memref<40x128xf32, #tpu.memory_space<hbm>>
        tpu.enqueue_dma source(%arg15 : memref<40x128xf32, #tpu.memory_space<vmem>>) target(%dma_start3A_37 : memref<40x128xf32, #tpu.memory_space<hbm>>) target_semaphore(%run_scoped3A : memref<!tpu.dma_semaphore, #tpu.memory_space<semaphore_mem>>)
        %dma_wait3A_38 = arith.constant 0 : i32
        %dma_wait3A_39 = tpu.memref_slice %arg9[%add3A_11, %dma_wait3A_38] : memref<160000x128xf32, #tpu.memory_space<hbm>> -> memref<40x128xf32, #tpu.memory_space<hbm>>
        %dma_wait3A_40 = arith.constant 0 : i32
        %dma_wait3A_41 = tpu.memref_slice %arg9[%add3A_11, %dma_wait3A_40] : memref<160000x128xf32, #tpu.memory_space<hbm>> -> memref<40x128xf32, #tpu.memory_space<hbm>>
        tpu.wait_dma2 semaphore(%run_scoped3A : memref<!tpu.dma_semaphore, #tpu.memory_space<semaphore_mem>>) src(%arg15 : memref<40x128xf32, #tpu.memory_space<vmem>>) dst(%dma_wait3A_41 : memref<40x128xf32, #tpu.memory_space<hbm>>)
        tpu.yield
      }) : () -> ()
      "tpu.region"() ({
        %run_scoped3A = tpu.sem_alloc : memref<!tpu.dma_semaphore, #tpu.memory_space<semaphore_mem>>
        %dma_start3A_34 = arith.constant 0 : i32
        %dma_start3A_35 = tpu.memref_slice %arg10[%add3A_11, %dma_start3A_34] : memref<160000x128xf32, #tpu.memory_space<hbm>> -> memref<40x128xf32, #tpu.memory_space<hbm>>
        %dma_start3A_36 = arith.constant 0 : i32
        %dma_start3A_37 = tpu.memref_slice %arg10[%add3A_11, %dma_start3A_36] : memref<160000x128xf32, #tpu.memory_space<hbm>> -> memref<40x128xf32, #tpu.memory_space<hbm>>
        tpu.enqueue_dma source(%arg16 : memref<40x128xf32, #tpu.memory_space<vmem>>) target(%dma_start3A_37 : memref<40x128xf32, #tpu.memory_space<hbm>>) target_semaphore(%run_scoped3A : memref<!tpu.dma_semaphore, #tpu.memory_space<semaphore_mem>>)
        %dma_wait3A_38 = arith.constant 0 : i32
        %dma_wait3A_39 = tpu.memref_slice %arg10[%add3A_11, %dma_wait3A_38] : memref<160000x128xf32, #tpu.memory_space<hbm>> -> memref<40x128xf32, #tpu.memory_space<hbm>>
        %dma_wait3A_40 = arith.constant 0 : i32
        %dma_wait3A_41 = tpu.memref_slice %arg10[%add3A_11, %dma_wait3A_40] : memref<160000x128xf32, #tpu.memory_space<hbm>> -> memref<40x128xf32, #tpu.memory_space<hbm>>
        tpu.wait_dma2 semaphore(%run_scoped3A : memref<!tpu.dma_semaphore, #tpu.memory_space<semaphore_mem>>) src(%arg16 : memref<40x128xf32, #tpu.memory_space<vmem>>) dst(%dma_wait3A_41 : memref<40x128xf32, #tpu.memory_space<hbm>>)
        tpu.yield
      }) : () -> ()
    }
    %scan3A_5 = arith.constant 125 : i32
    return
  }
}

#map = affine_map<(d0, d1) -> (0, 0, 0)>
#map1 = affine_map<(d0, d1) -> (0)>
module attributes {stable_mosaic.version = 14 : i64} {
  func.func @_scatter_body(%arg0: i32, %arg1: i32, %arg2: memref<2x160000x128xf32, #tpu.memory_space<hbm>>, %arg3: memref<160000xi32, #tpu.memory_space<hbm>>, %arg4: memref<2x10240x128xf32, #tpu.memory_space<hbm>>, %arg5: memref<10240x128xf32, #tpu.memory_space<vmem_shared>>, %arg6: memref<40x128xf32, #tpu.memory_space<vmem>>, %arg7: memref<40x128xf32, #tpu.memory_space<vmem>>, %arg8: memref<40xi32, #tpu.memory_space<vmem>>, %arg9: memref<!tpu.dma_semaphore, #tpu.memory_space<semaphore_mem>>) attributes {dimension_semantics = [#tpu.dimension_semantics<core_parallel>, #tpu.dimension_semantics<subcore_parallel>], iteration_bounds = array<i64: 2, 16>, scalar_prefetch = 0 : i64, scratch_operands = 5 : i64, tpu.core_type = #tpu.core_type<sc_vector_subcore>, window_params = [{transform_indices = #map}, {transform_indices = #map1}, {transform_indices = #map}]} {
    %scan3A = arith.constant 0 : i32
    %scan3A_0 = arith.constant 0 : i32
    %scan3A_1 = arith.constant 40 : i32
    %scan3A_2 = arith.addi %scan3A_0, %scan3A_1 : i32
    %scan3A_3 = arith.constant 1 : i32
    scf.for %scan3A_21 = %scan3A_0 to %scan3A_2 step %scan3A_3  : i32 {
      %broadcast_in_dim3A = arith.constant 0.000000e+00 : f32
      %broadcast_in_dim3A_22 = vector.broadcast %broadcast_in_dim3A : f32 to vector<16xf32>
      %swap3A = arith.index_cast %scan3A_21 : i32 to index
      %swap3A_23 = arith.constant 0 : index
      %swap3A_24 = tpu.vector_load %arg6[%swap3A, %swap3A_23] {strides = array<i32>} : memref<40x128xf32, #tpu.memory_space<vmem>>, vector<1x16xf32>,
      %swap3A_25 = vector.shape_cast %swap3A_24 : vector<1x16xf32> to vector<16xf32>
      %swap3A_26 = vector.shape_cast %broadcast_in_dim3A_22 : vector<16xf32> to vector<1x16xf32>
      tpu.vector_store %arg6[%swap3A, %swap3A_23], %swap3A_26 {strides = array<i32>} : memref<40x128xf32, #tpu.memory_space<vmem>>, vector<1x16xf32>,
      %broadcast_in_dim3A_27 = arith.constant 0.000000e+00 : f32
      %broadcast_in_dim3A_28 = vector.broadcast %broadcast_in_dim3A_27 : f32 to vector<16xf32>
      %swap3A_29 = arith.index_cast %scan3A_21 : i32 to index
      %swap3A_30 = arith.constant 16 : index
      %swap3A_31 = tpu.vector_load %arg6[%swap3A_29, %swap3A_30] {strides = array<i32>} : memref<40x128xf32, #tpu.memory_space<vmem>>, vector<1x16xf32>,
      %swap3A_32 = vector.shape_cast %swap3A_31 : vector<1x16xf32> to vector<16xf32>
      %swap3A_33 = vector.shape_cast %broadcast_in_dim3A_28 : vector<16xf32> to vector<1x16xf32>
      tpu.vector_store %arg6[%swap3A_29, %swap3A_30], %swap3A_33 {strides = array<i32>} : memref<40x128xf32, #tpu.memory_space<vmem>>, vector<1x16xf32>,
      %broadcast_in_dim3A_34 = arith.constant 0.000000e+00 : f32
      %broadcast_in_dim3A_35 = vector.broadcast %broadcast_in_dim3A_34 : f32 to vector<16xf32>
      %swap3A_36 = arith.index_cast %scan3A_21 : i32 to index
      %swap3A_37 = arith.constant 32 : index
      %swap3A_38 = tpu.vector_load %arg6[%swap3A_36, %swap3A_37] {strides = array<i32>} : memref<40x128xf32, #tpu.memory_space<vmem>>, vector<1x16xf32>,
      %swap3A_39 = vector.shape_cast %swap3A_38 : vector<1x16xf32> to vector<16xf32>
      %swap3A_40 = vector.shape_cast %broadcast_in_dim3A_35 : vector<16xf32> to vector<1x16xf32>
      tpu.vector_store %arg6[%swap3A_36, %swap3A_37], %swap3A_40 {strides = array<i32>} : memref<40x128xf32, #tpu.memory_space<vmem>>, vector<1x16xf32>,
      %broadcast_in_dim3A_41 = arith.constant 0.000000e+00 : f32
      %broadcast_in_dim3A_42 = vector.broadcast %broadcast_in_dim3A_41 : f32 to vector<16xf32>
      %swap3A_43 = arith.index_cast %scan3A_21 : i32 to index
      %swap3A_44 = arith.constant 48 : index
      %swap3A_45 = tpu.vector_load %arg6[%swap3A_43, %swap3A_44] {strides = array<i32>} : memref<40x128xf32, #tpu.memory_space<vmem>>, vector<1x16xf32>,
      %swap3A_46 = vector.shape_cast %swap3A_45 : vector<1x16xf32> to vector<16xf32>
      %swap3A_47 = vector.shape_cast %broadcast_in_dim3A_42 : vector<16xf32> to vector<1x16xf32>
      tpu.vector_store %arg6[%swap3A_43, %swap3A_44], %swap3A_47 {strides = array<i32>} : memref<40x128xf32, #tpu.memory_space<vmem>>, vector<1x16xf32>,
      %broadcast_in_dim3A_48 = arith.constant 0.000000e+00 : f32
      %broadcast_in_dim3A_49 = vector.broadcast %broadcast_in_dim3A_48 : f32 to vector<16xf32>
      %swap3A_50 = arith.index_cast %scan3A_21 : i32 to index
      %swap3A_51 = arith.constant 64 : index
      %swap3A_52 = tpu.vector_load %arg6[%swap3A_50, %swap3A_51] {strides = array<i32>} : memref<40x128xf32, #tpu.memory_space<vmem>>, vector<1x16xf32>,
      %swap3A_53 = vector.shape_cast %swap3A_52 : vector<1x16xf32> to vector<16xf32>
      %swap3A_54 = vector.shape_cast %broadcast_in_dim3A_49 : vector<16xf32> to vector<1x16xf32>
      tpu.vector_store %arg6[%swap3A_50, %swap3A_51], %swap3A_54 {strides = array<i32>} : memref<40x128xf32, #tpu.memory_space<vmem>>, vector<1x16xf32>,
      %broadcast_in_dim3A_55 = arith.constant 0.000000e+00 : f32
      %broadcast_in_dim3A_56 = vector.broadcast %broadcast_in_dim3A_55 : f32 to vector<16xf32>
      %swap3A_57 = arith.index_cast %scan3A_21 : i32 to index
      %swap3A_58 = arith.constant 80 : index
      %swap3A_59 = tpu.vector_load %arg6[%swap3A_57, %swap3A_58] {strides = array<i32>} : memref<40x128xf32, #tpu.memory_space<vmem>>, vector<1x16xf32>,
      %swap3A_60 = vector.shape_cast %swap3A_59 : vector<1x16xf32> to vector<16xf32>
      %swap3A_61 = vector.shape_cast %broadcast_in_dim3A_56 : vector<16xf32> to vector<1x16xf32>
      tpu.vector_store %arg6[%swap3A_57, %swap3A_58], %swap3A_61 {strides = array<i32>} : memref<40x128xf32, #tpu.memory_space<vmem>>, vector<1x16xf32>,
      %broadcast_in_dim3A_62 = arith.constant 0.000000e+00 : f32
      %broadcast_in_dim3A_63 = vector.broadcast %broadcast_in_dim3A_62 : f32 to vector<16xf32>
      %swap3A_64 = arith.index_cast %scan3A_21 : i32 to index
      %swap3A_65 = arith.constant 96 : index
      %swap3A_66 = tpu.vector_load %arg6[%swap3A_64, %swap3A_65] {strides = array<i32>} : memref<40x128xf32, #tpu.memory_space<vmem>>, vector<1x16xf32>,
      %swap3A_67 = vector.shape_cast %swap3A_66 : vector<1x16xf32> to vector<16xf32>
      %swap3A_68 = vector.shape_cast %broadcast_in_dim3A_63 : vector<16xf32> to vector<1x16xf32>
      tpu.vector_store %arg6[%swap3A_64, %swap3A_65], %swap3A_68 {strides = array<i32>} : memref<40x128xf32, #tpu.memory_space<vmem>>, vector<1x16xf32>,
      %broadcast_in_dim3A_69 = arith.constant 0.000000e+00 : f32
      %broadcast_in_dim3A_70 = vector.broadcast %broadcast_in_dim3A_69 : f32 to vector<16xf32>
      %swap3A_71 = arith.index_cast %scan3A_21 : i32 to index
      %swap3A_72 = arith.constant 112 : index
      %swap3A_73 = tpu.vector_load %arg6[%swap3A_71, %swap3A_72] {strides = array<i32>} : memref<40x128xf32, #tpu.memory_space<vmem>>, vector<1x16xf32>,
      %swap3A_74 = vector.shape_cast %swap3A_73 : vector<1x16xf32> to vector<16xf32>
      %swap3A_75 = vector.shape_cast %broadcast_in_dim3A_70 : vector<16xf32> to vector<1x16xf32>
      tpu.vector_store %arg6[%swap3A_71, %swap3A_72], %swap3A_75 {strides = array<i32>} : memref<40x128xf32, #tpu.memory_space<vmem>>, vector<1x16xf32>,
    }
    %scan3A_4 = arith.constant 40 : i32
    %scan3A_5 = arith.constant 0 : i32
    %scan3A_6 = arith.constant 0 : i32
    %scan3A_7 = arith.constant 16 : i32
    %scan3A_8 = arith.addi %scan3A_6, %scan3A_7 : i32
    %scan3A_9 = arith.constant 1 : i32
    scf.for %scan3A_21 = %scan3A_6 to %scan3A_8 step %scan3A_9  : i32 {
      %mul3A_22 = arith.constant 640 : i32
      %mul3A_23 = arith.muli %arg1, %mul3A_22 : i32
      %mul3A_24 = arith.constant 40 : i32
      %mul3A_25 = arith.muli %scan3A_21, %mul3A_24 : i32
      %add3A = arith.addi %mul3A_23, %mul3A_25 : i32
      "tpu.region"() ({
        %run_scoped3A = tpu.sem_alloc : memref<!tpu.dma_semaphore, #tpu.memory_space<semaphore_mem>>
        %dma_start3A = arith.constant 0 : i32
        %dma_start3A_26 = tpu.memref_slice %arg5[%add3A, %dma_start3A] : memref<10240x128xf32, #tpu.memory_space<vmem_shared>> -> memref<40x128xf32, #tpu.memory_space<vmem_shared>>
        %dma_start3A_27 = arith.constant 0 : i32
        %dma_start3A_28 = tpu.memref_slice %arg5[%add3A, %dma_start3A_27] : memref<10240x128xf32, #tpu.memory_space<vmem_shared>> -> memref<40x128xf32, #tpu.memory_space<vmem_shared>>
        tpu.enqueue_dma source(%arg6 : memref<40x128xf32, #tpu.memory_space<vmem>>) target(%dma_start3A_28 : memref<40x128xf32, #tpu.memory_space<vmem_shared>>) target_semaphore(%run_scoped3A : memref<!tpu.dma_semaphore, #tpu.memory_space<semaphore_mem>>)
        %dma_wait3A = arith.constant 0 : i32
        %dma_wait3A_29 = tpu.memref_slice %arg5[%add3A, %dma_wait3A] : memref<10240x128xf32, #tpu.memory_space<vmem_shared>> -> memref<40x128xf32, #tpu.memory_space<vmem_shared>>
        %dma_wait3A_30 = arith.constant 0 : i32
        %dma_wait3A_31 = tpu.memref_slice %arg5[%add3A, %dma_wait3A_30] : memref<10240x128xf32, #tpu.memory_space<vmem_shared>> -> memref<40x128xf32, #tpu.memory_space<vmem_shared>>
        tpu.wait_dma2 semaphore(%run_scoped3A : memref<!tpu.dma_semaphore, #tpu.memory_space<semaphore_mem>>) src(%arg6 : memref<40x128xf32, #tpu.memory_space<vmem>>) dst(%dma_wait3A_31 : memref<40x128xf32, #tpu.memory_space<vmem_shared>>)
        tpu.yield
      }) : () -> ()
    }
    %scan3A_10 = arith.constant 16 : i32
    %barrier3A = arith.constant 0 : index
    tpu.barrier barrier_id(%barrier3A)
    %scan3A_11 = arith.constant 0 : i32
    %scan3A_12 = arith.constant 0 : i32
    %scan3A_13 = arith.constant 250 : i32
    %scan3A_14 = arith.addi %scan3A_12, %scan3A_13 : i32
    %scan3A_15 = arith.constant 1 : i32
    scf.for %scan3A_21 = %scan3A_12 to %scan3A_14 step %scan3A_15  : i32 {
      %mul3A_22 = arith.constant 10000 : i32
      %mul3A_23 = arith.muli %arg1, %mul3A_22 : i32
      %mul3A_24 = arith.constant 40 : i32
      %mul3A_25 = arith.muli %scan3A_21, %mul3A_24 : i32
      %add3A = arith.addi %mul3A_23, %mul3A_25 : i32
      "tpu.region"() ({
        %run_scoped3A = tpu.sem_alloc : memref<!tpu.dma_semaphore, #tpu.memory_space<semaphore_mem>>
        %dma_start3A = tpu.memref_slice %arg3[%add3A] : memref<160000xi32, #tpu.memory_space<hbm>> -> memref<40xi32, #tpu.memory_space<hbm>>
        %dma_start3A_26 = tpu.memref_slice %arg3[%add3A] : memref<160000xi32, #tpu.memory_space<hbm>> -> memref<40xi32, #tpu.memory_space<hbm>>
        tpu.enqueue_dma source(%dma_start3A_26 : memref<40xi32, #tpu.memory_space<hbm>>) target(%arg8 : memref<40xi32, #tpu.memory_space<vmem>>) target_semaphore(%run_scoped3A : memref<!tpu.dma_semaphore, #tpu.memory_space<semaphore_mem>>)
        %dma_wait3A = tpu.memref_slice %arg3[%add3A] : memref<160000xi32, #tpu.memory_space<hbm>> -> memref<40xi32, #tpu.memory_space<hbm>>
        %dma_wait3A_27 = tpu.memref_slice %arg3[%add3A] : memref<160000xi32, #tpu.memory_space<hbm>> -> memref<40xi32, #tpu.memory_space<hbm>>
        tpu.wait_dma2 semaphore(%run_scoped3A : memref<!tpu.dma_semaphore, #tpu.memory_space<semaphore_mem>>) src(%dma_wait3A_27 : memref<40xi32, #tpu.memory_space<hbm>>) dst(%arg8 : memref<40xi32, #tpu.memory_space<vmem>>)
        tpu.yield
      }) : () -> ()
      "tpu.region"() ({
        %run_scoped3A = tpu.sem_alloc : memref<!tpu.dma_semaphore, #tpu.memory_space<semaphore_mem>>
        %dma_start3A = arith.constant 0 : i32
        %dma_start3A_26 = tpu.memref_slice %arg2[%arg0, %add3A, %dma_start3A] : memref<2x160000x128xf32, #tpu.memory_space<hbm>> -> memref<1x40x128xf32, #tpu.memory_space<hbm>>
        %dma_start3A_27 = tpu.memref_squeeze %dma_start3A_26 : memref<1x40x128xf32, #tpu.memory_space<hbm>> -> memref<40x128xf32, #tpu.memory_space<hbm>>
        %dma_start3A_28 = arith.constant 0 : i32
        %dma_start3A_29 = tpu.memref_slice %arg2[%arg0, %add3A, %dma_start3A_28] : memref<2x160000x128xf32, #tpu.memory_space<hbm>> -> memref<1x40x128xf32, #tpu.memory_space<hbm>>
        %dma_start3A_30 = tpu.memref_squeeze %dma_start3A_29 : memref<1x40x128xf32, #tpu.memory_space<hbm>> -> memref<40x128xf32, #tpu.memory_space<hbm>>
        tpu.enqueue_dma source(%dma_start3A_30 : memref<40x128xf32, #tpu.memory_space<hbm>>) target(%arg7 : memref<40x128xf32, #tpu.memory_space<vmem>>) target_semaphore(%run_scoped3A : memref<!tpu.dma_semaphore, #tpu.memory_space<semaphore_mem>>)
        %dma_wait3A = arith.constant 0 : i32
        %dma_wait3A_31 = tpu.memref_slice %arg2[%arg0, %add3A, %dma_wait3A] : memref<2x160000x128xf32, #tpu.memory_space<hbm>> -> memref<1x40x128xf32, #tpu.memory_space<hbm>>
        %dma_wait3A_32 = tpu.memref_squeeze %dma_wait3A_31 : memref<1x40x128xf32, #tpu.memory_space<hbm>> -> memref<40x128xf32, #tpu.memory_space<hbm>>
        %dma_wait3A_33 = arith.constant 0 : i32
        %dma_wait3A_34 = tpu.memref_slice %arg2[%arg0, %add3A, %dma_wait3A_33] : memref<2x160000x128xf32, #tpu.memory_space<hbm>> -> memref<1x40x128xf32, #tpu.memory_space<hbm>>
        %dma_wait3A_35 = tpu.memref_squeeze %dma_wait3A_34 : memref<1x40x128xf32, #tpu.memory_space<hbm>> -> memref<40x128xf32, #tpu.memory_space<hbm>>
        tpu.wait_dma2 semaphore(%run_scoped3A : memref<!tpu.dma_semaphore, #tpu.memory_space<semaphore_mem>>) src(%dma_wait3A_35 : memref<40x128xf32, #tpu.memory_space<hbm>>) dst(%arg7 : memref<40x128xf32, #tpu.memory_space<vmem>>)
        tpu.yield
      }) : () -> ()
      "tpu.region"() ({
        %run_scoped3A = tpu.sem_alloc : memref<!tpu.dma_semaphore, #tpu.memory_space<semaphore_mem>>
        %dma_start3A = arith.constant 0 : i32
        %dma_start3A_26 = arith.constant 0 : i32
        %dma_start3A_27 = tpu.memref_slice %arg5[%dma_start3A, %dma_start3A_26] : memref<10240x128xf32, #tpu.memory_space<vmem_shared>> -> memref<10240x128xf32, #tpu.memory_space<vmem_shared>>
        tpu.enqueue_indirect_dma source(%arg7 : memref<40x128xf32, #tpu.memory_space<vmem>>) target(%dma_start3A_27 : memref<10240x128xf32, #tpu.memory_space<vmem_shared>>) offsets(%arg8 : memref<40xi32, #tpu.memory_space<vmem>>) semaphore(%run_scoped3A : memref<!tpu.dma_semaphore, #tpu.memory_space<semaphore_mem>>) {add = true}
        %dma_wait3A = arith.constant 0 : i32
        %dma_wait3A_28 = arith.constant 0 : i32
        %dma_wait3A_29 = tpu.memref_slice %arg5[%dma_wait3A, %dma_wait3A_28] : memref<10240x128xf32, #tpu.memory_space<vmem_shared>> -> memref<10240x128xf32, #tpu.memory_space<vmem_shared>>
        tpu.wait_indirect_dma semaphore(%run_scoped3A : memref<!tpu.dma_semaphore, #tpu.memory_space<semaphore_mem>>) src(%arg7 : memref<40x128xf32, #tpu.memory_space<vmem>>) dst(%dma_wait3A_29 : memref<10240x128xf32, #tpu.memory_space<vmem_shared>>)
        tpu.yield
      }) : () -> ()
    }
    %scan3A_16 = arith.constant 250 : i32
    %barrier3A_17 = arith.constant 0 : index
    tpu.barrier barrier_id(%barrier3A_17)
    %mul3A = arith.constant 640 : i32
    %mul3A_18 = arith.muli %arg1, %mul3A : i32
    %mul3A_19 = arith.constant 640 : i32
    %mul3A_20 = arith.muli %arg1, %mul3A_19 : i32
    "tpu.region"() ({
      %run_scoped3A = tpu.sem_alloc : memref<!tpu.dma_semaphore, #tpu.memory_space<semaphore_mem>>
      %dma_start3A = arith.constant 0 : i32
      %dma_start3A_21 = tpu.memref_slice %arg4[%arg0, %mul3A_20, %dma_start3A] : memref<2x10240x128xf32, #tpu.memory_space<hbm>> -> memref<1x640x128xf32, #tpu.memory_space<hbm>>
      %dma_start3A_22 = tpu.memref_squeeze %dma_start3A_21 : memref<1x640x128xf32, #tpu.memory_space<hbm>> -> memref<640x128xf32, #tpu.memory_space<hbm>>
      %dma_start3A_23 = arith.constant 0 : i32
      %dma_start3A_24 = tpu.memref_slice %arg5[%mul3A_18, %dma_start3A_23] : memref<10240x128xf32, #tpu.memory_space<vmem_shared>> -> memref<640x128xf32, #tpu.memory_space<vmem_shared>>
      tpu.enqueue_dma source(%dma_start3A_24 : memref<640x128xf32, #tpu.memory_space<vmem_shared>>) target(%dma_start3A_22 : memref<640x128xf32, #tpu.memory_space<hbm>>) target_semaphore(%run_scoped3A : memref<!tpu.dma_semaphore, #tpu.memory_space<semaphore_mem>>)
      %dma_wait3A = arith.constant 0 : i32
      %dma_wait3A_25 = tpu.memref_slice %arg4[%arg0, %mul3A_20, %dma_wait3A] : memref<2x10240x128xf32, #tpu.memory_space<hbm>> -> memref<1x640x128xf32, #tpu.memory_space<hbm>>
      %dma_wait3A_26 = tpu.memref_squeeze %dma_wait3A_25 : memref<1x640x128xf32, #tpu.memory_space<hbm>> -> memref<640x128xf32, #tpu.memory_space<hbm>>
      %dma_wait3A_27 = arith.constant 0 : i32
      %dma_wait3A_28 = tpu.memref_slice %arg5[%mul3A_18, %dma_wait3A_27] : memref<10240x128xf32, #tpu.memory_space<vmem_shared>> -> memref<640x128xf32, #tpu.memory_space<vmem_shared>>
      tpu.wait_dma2 semaphore(%run_scoped3A : memref<!tpu.dma_semaphore, #tpu.memory_space<semaphore_mem>>) src(%dma_wait3A_28 : memref<640x128xf32, #tpu.memory_space<vmem_shared>>) dst(%dma_wait3A_26 : memref<640x128xf32, #tpu.memory_space<hbm>>)
      tpu.yield
    }) : () -> ()
    return
  }
}

module attributes {stable_mosaic.version = 14 : i64} {
  func.func @_prep_body(%arg0: i32, %arg1: memref<2000x128xf32, #tpu.memory_space<vmem>>, %arg2: memref<128x256xf32, #tpu.memory_space<vmem>>, %arg3: memref<2000x128xf32, #tpu.memory_space<vmem>>, %arg4: memref<2000x128xf32, #tpu.memory_space<vmem>>) attributes {dimension_semantics = [#tpu.dimension_semantics<arbitrary>], iteration_bounds = array<i64: 5>, scalar_prefetch = 0 : i64, scratch_operands = 0 : i64, tpu.core_type = #tpu.core_type<tc>, window_params = [{transform_indices = @transform_0, window_bounds = array<i64: 2000, 128>}, {pipeline_mode = #tpu.pipeline_mode<synchronous>, transform_indices = @transform_1, window_bounds = array<i64: 128, 256>}, {transform_indices = @transform_2, window_bounds = array<i64: 2000, 128>}, {transform_indices = @transform_3, window_bounds = array<i64: 2000, 128>}]} {
    %get3A = arith.constant 0 : index
    %get3A_0 = arith.constant 0 : index
    %get3A_1 = vector.load %arg1[%get3A, %get3A_0] : memref<2000x128xf32, #tpu.memory_space<vmem>>, vector<2000x128xf32>
    %get3A_2 = arith.constant 0 : index
    %get3A_3 = arith.constant 0 : index
    %get3A_4 = vector.load %arg2[%get3A_2, %get3A_3] : memref<128x256xf32, #tpu.memory_space<vmem>>, vector<128x256xf32>
    %dot_general3A = arith.constant dense<0.000000e+00> : vector<2000x256xf32>
    %dot_general3A_5 = tpu.matmul %get3A_1, %get3A_4, %dot_general3A {dimension_numbers = #tpu.dot_dimension_numbers<[1], [0], [0], [1], [0, 0, 1, 1], [], []>, transpose_lhs_hint = false} : vector<2000x128xf32>, vector<128x256xf32>, vector<2000x256xf32> -> vector<2000x256xf32>
    %slice3A = vector.extract_strided_slice %dot_general3A_5 {offsets = [0, 0], sizes = [2000, 128], strides = [1, 1]} : vector<2000x256xf32> to vector<2000x128xf32>
    %swap3A = arith.constant 0 : index
    %swap3A_6 = arith.constant 0 : index
    %swap3A_7 = vector.load %arg3[%swap3A, %swap3A_6] : memref<2000x128xf32, #tpu.memory_space<vmem>>, vector<2000x128xf32>
    tpu.vector_store %arg3[%swap3A, %swap3A_6], %slice3A {strides = array<i32>} : memref<2000x128xf32, #tpu.memory_space<vmem>>, vector<2000x128xf32>,
    %slice3A_8 = vector.extract_strided_slice %dot_general3A_5 {offsets = [0, 128], sizes = [2000, 128], strides = [1, 1]} : vector<2000x256xf32> to vector<2000x128xf32>
    %swap3A_9 = arith.constant 0 : index
    %swap3A_10 = arith.constant 0 : index
    %swap3A_11 = vector.load %arg4[%swap3A_9, %swap3A_10] : memref<2000x128xf32, #tpu.memory_space<vmem>>, vector<2000x128xf32>
    tpu.vector_store %arg4[%swap3A_9, %swap3A_10], %slice3A_8 {strides = array<i32>} : memref<2000x128xf32, #tpu.memory_space<vmem>>, vector<2000x128xf32>,
    return
  }
  func.func @transform_0(%arg0: i32) -> (i32, i32) {
    %c0_i32 = arith.constant 0 : i32
    %c0_i32_0 = arith.constant 0 : i32
    return %arg0, %c0_i32 : i32, i32
  }
  func.func @transform_1(%arg0: i32) -> (i32, i32) {
    %c0_i32 = arith.constant 0 : i32
    %c0_i32_0 = arith.constant 0 : i32
    %c0_i32_1 = arith.constant 0 : i32
    return %c0_i32, %c0_i32_0 : i32, i32
  }
  func.func @transform_2(%arg0: i32) -> (i32, i32) {
    %c0_i32 = arith.constant 0 : i32
    %c0_i32_0 = arith.constant 0 : i32
    return %arg0, %c0_i32 : i32, i32
  }
  func.func @transform_3(%arg0: i32) -> (i32, i32) {
    %c0_i32 = arith.constant 0 : i32
    %c0_i32_0 = arith.constant 0 : i32
    return %arg0, %c0_i32 : i32, i32
  }
}

module attributes {stable_mosaic.version = 14 : i64} {
  func.func @_edge_body(%arg0: i32, %arg1: memref<1000x128xf32, #tpu.memory_space<vmem>>, %arg2: memref<1000x128xf32, #tpu.memory_space<vmem>>, %arg3: memref<1000x128xf32, #tpu.memory_space<vmem>>, %arg4: memref<1000x128xf32, #tpu.memory_space<vmem>>, %arg5: memref<1000x32xf32, #tpu.memory_space<vmem>>, %arg6: memref<1000x12xf32, #tpu.memory_space<vmem>>, %arg7: memref<1000x9xf32, #tpu.memory_space<vmem>>, %arg8: memref<16x55xf32, #tpu.memory_space<vmem>>, %arg9: memref<16x55xf32, #tpu.memory_space<vmem>>, %arg10: memref<4x55xf32, #tpu.memory_space<vmem>>, %arg11: memref<32x128xf32, #tpu.memory_space<vmem>>, %arg12: memref<36x128xf32, #tpu.memory_space<vmem>>, %arg13: memref<9x128xf32, #tpu.memory_space<vmem>>, %arg14: memref<1x128xf32, #tpu.memory_space<vmem>>, %arg15: memref<128x16xf32, #tpu.memory_space<vmem>>, %arg16: memref<1x16xf32, #tpu.memory_space<vmem>>, %arg17: memref<2x1000x128xf32, #tpu.memory_space<vmem>>) attributes {dimension_semantics = [#tpu.dimension_semantics<arbitrary>], iteration_bounds = array<i64: 160>, scalar_prefetch = 0 : i64, scratch_operands = 0 : i64, tpu.core_type = #tpu.core_type<tc>, window_params = [{transform_indices = @transform_0, window_bounds = array<i64: 1000, 128>}, {transform_indices = @transform_1, window_bounds = array<i64: 1000, 128>}, {transform_indices = @transform_2, window_bounds = array<i64: 1000, 128>}, {transform_indices = @transform_3, window_bounds = array<i64: 1000, 128>}, {transform_indices = @transform_4, window_bounds = array<i64: 1000, 32>}, {transform_indices = @transform_5, window_bounds = array<i64: 1000, 12>}, {transform_indices = @transform_6, window_bounds = array<i64: 1000, 9>}, {pipeline_mode = #tpu.pipeline_mode<synchronous>, transform_indices = @transform_7, window_bounds = array<i64: 16, 55>}, {pipeline_mode = #tpu.pipeline_mode<synchronous>, transform_indices = @transform_8, window_bounds = array<i64: 16, 55>}, {pipeline_mode = #tpu.pipeline_mode<synchronous>, transform_indices = @transform_9, window_bounds = array<i64: 4, 55>}, {pipeline_mode = #tpu.pipeline_mode<synchronous>, transform_indices = @transform_10, window_bounds = array<i64: 32, 128>}, {pipeline_mode = #tpu.pipeline_mode<synchronous>, transform_indices = @transform_11, window_bounds = array<i64: 36, 128>}, {pipeline_mode = #tpu.pipeline_mode<synchronous>, transform_indices = @transform_12, window_bounds = array<i64: 9, 128>}, {pipeline_mode = #tpu.pipeline_mode<synchronous>, transform_indices = @transform_13, window_bounds = array<i64: 1, 128>}, {pipeline_mode = #tpu.pipeline_mode<synchronous>, transform_indices = @transform_14, window_bounds = array<i64: 128, 16>}, {pipeline_mode = #tpu.pipeline_mode<synchronous>, transform_indices = @transform_15, window_bounds = array<i64: 1, 16>}, {transform_indices = @transform_16, window_bounds = array<i64: 2, 1000, 128>}]} {
    %get3A = arith.constant 0 : index
    %get3A_0 = arith.constant 0 : index
    %get3A_1 = vector.load %arg3[%get3A, %get3A_0] : memref<1000x128xf32, #tpu.memory_space<vmem>>, vector<1000x16xf32>
    %get3A_2 = arith.constant 0 : index
    %get3A_3 = arith.constant 0 : index
    %get3A_4 = vector.load %arg8[%get3A_2, %get3A_3] : memref<16x55xf32, #tpu.memory_space<vmem>>, vector<16x55xf32>
    %dot_general3A = arith.constant dense<0.000000e+00> : vector<1000x55xf32>
    %dot_general3A_5 = tpu.matmul %get3A_1, %get3A_4, %dot_general3A {dimension_numbers = #tpu.dot_dimension_numbers<[1], [0], [0], [1], [0, 0, 1, 1], [], []>, transpose_lhs_hint = false} : vector<1000x16xf32>, vector<16x55xf32>, vector<1000x55xf32> -> vector<1000x55xf32>
    %get3A_6 = arith.constant 0 : index
    %get3A_7 = arith.constant 0 : index
    %get3A_8 = vector.load %arg4[%get3A_6, %get3A_7] : memref<1000x128xf32, #tpu.memory_space<vmem>>, vector<1000x16xf32>
    %get3A_9 = arith.constant 0 : index
    %get3A_10 = arith.constant 0 : index
    %get3A_11 = vector.load %arg9[%get3A_9, %get3A_10] : memref<16x55xf32, #tpu.memory_space<vmem>>, vector<16x55xf32>
    %dot_general3A_12 = arith.constant dense<0.000000e+00> : vector<1000x55xf32>
    %dot_general3A_13 = tpu.matmul %get3A_8, %get3A_11, %dot_general3A_12 {dimension_numbers = #tpu.dot_dimension_numbers<[1], [0], [0], [1], [0, 0, 1, 1], [], []>, transpose_lhs_hint = false} : vector<1000x16xf32>, vector<16x55xf32>, vector<1000x55xf32> -> vector<1000x55xf32>
    %add3A = arith.addf %dot_general3A_5, %dot_general3A_13 : vector<1000x55xf32>
    %get3A_14 = arith.constant 0 : index
    %get3A_15 = arith.constant 0 : index
    %get3A_16 = vector.load %arg6[%get3A_14, %get3A_15] : memref<1000x12xf32, #tpu.memory_space<vmem>>, vector<1000x4xf32>
    %get3A_17 = arith.constant 0 : index
    %get3A_18 = arith.constant 0 : index
    %get3A_19 = vector.load %arg10[%get3A_17, %get3A_18] : memref<4x55xf32, #tpu.memory_space<vmem>>, vector<4x55xf32>
    %dot_general3A_20 = arith.constant dense<0.000000e+00> : vector<1000x55xf32>
    %dot_general3A_21 = tpu.matmul %get3A_16, %get3A_19, %dot_general3A_20 {dimension_numbers = #tpu.dot_dimension_numbers<[1], [0], [0], [1], [0, 0, 1, 1], [], []>, transpose_lhs_hint = false} : vector<1000x4xf32>, vector<4x55xf32>, vector<1000x55xf32> -> vector<1000x55xf32>
    %add3A_22 = arith.addf %add3A, %dot_general3A_21 : vector<1000x55xf32>
    %slice3A = vector.extract_strided_slice %add3A_22 {offsets = [0, 0], sizes = [1000, 36], strides = [1, 1]} : vector<1000x55xf32> to vector<1000x36xf32>
    %slice3A_23 = vector.extract_strided_slice %add3A_22 {offsets = [0, 0], sizes = [1000, 36], strides = [1, 1]} : vector<1000x55xf32> to vector<1000x36xf32>
    %mul3A = arith.mulf %slice3A, %slice3A_23 : vector<1000x36xf32>
    %get3A_24 = arith.constant 0 : index
    %get3A_25 = arith.constant 16 : index
    %get3A_26 = vector.load %arg3[%get3A_24, %get3A_25] : memref<1000x128xf32, #tpu.memory_space<vmem>>, vector<1000x16xf32>
    %get3A_27 = arith.constant 0 : index
    %get3A_28 = arith.constant 0 : index
    %get3A_29 = vector.load %arg8[%get3A_27, %get3A_28] : memref<16x55xf32, #tpu.memory_space<vmem>>, vector<16x55xf32>
    %dot_general3A_30 = arith.constant dense<0.000000e+00> : vector<1000x55xf32>
    %dot_general3A_31 = tpu.matmul %get3A_26, %get3A_29, %dot_general3A_30 {dimension_numbers = #tpu.dot_dimension_numbers<[1], [0], [0], [1], [0, 0, 1, 1], [], []>, transpose_lhs_hint = false} : vector<1000x16xf32>, vector<16x55xf32>, vector<1000x55xf32> -> vector<1000x55xf32>
    %get3A_32 = arith.constant 0 : index
    %get3A_33 = arith.constant 16 : index
    %get3A_34 = vector.load %arg4[%get3A_32, %get3A_33] : memref<1000x128xf32, #tpu.memory_space<vmem>>, vector<1000x16xf32>
    %get3A_35 = arith.constant 0 : index
    %get3A_36 = arith.constant 0 : index
    %get3A_37 = vector.load %arg9[%get3A_35, %get3A_36] : memref<16x55xf32, #tpu.memory_space<vmem>>, vector<16x55xf32>
    %dot_general3A_38 = arith.constant dense<0.000000e+00> : vector<1000x55xf32>
    %dot_general3A_39 = tpu.matmul %get3A_34, %get3A_37, %dot_general3A_38 {dimension_numbers = #tpu.dot_dimension_numbers<[1], [0], [0], [1], [0, 0, 1, 1], [], []>, transpose_lhs_hint = false} : vector<1000x16xf32>, vector<16x55xf32>, vector<1000x55xf32> -> vector<1000x55xf32>
    %add3A_40 = arith.addf %dot_general3A_31, %dot_general3A_39 : vector<1000x55xf32>
    %get3A_41 = arith.constant 0 : index
    %get3A_42 = arith.constant 4 : index
    %get3A_43 = vector.load %arg6[%get3A_41, %get3A_42] : memref<1000x12xf32, #tpu.memory_space<vmem>>, vector<1000x4xf32>
    %get3A_44 = arith.constant 0 : index
    %get3A_45 = arith.constant 0 : index
    %get3A_46 = vector.load %arg10[%get3A_44, %get3A_45] : memref<4x55xf32, #tpu.memory_space<vmem>>, vector<4x55xf32>
    %dot_general3A_47 = arith.constant dense<0.000000e+00> : vector<1000x55xf32>
    %dot_general3A_48 = tpu.matmul %get3A_43, %get3A_46, %dot_general3A_47 {dimension_numbers = #tpu.dot_dimension_numbers<[1], [0], [0], [1], [0, 0, 1, 1], [], []>, transpose_lhs_hint = false} : vector<1000x4xf32>, vector<4x55xf32>, vector<1000x55xf32> -> vector<1000x55xf32>
    %add3A_49 = arith.addf %add3A_40, %dot_general3A_48 : vector<1000x55xf32>
    %slice3A_50 = vector.extract_strided_slice %add3A_49 {offsets = [0, 0], sizes = [1000, 36], strides = [1, 1]} : vector<1000x55xf32> to vector<1000x36xf32>
    %slice3A_51 = vector.extract_strided_slice %add3A_49 {offsets = [0, 0], sizes = [1000, 36], strides = [1, 1]} : vector<1000x55xf32> to vector<1000x36xf32>
    %mul3A_52 = arith.mulf %slice3A_50, %slice3A_51 : vector<1000x36xf32>
    %add3A_53 = arith.addf %mul3A, %mul3A_52 : vector<1000x36xf32>
    %get3A_54 = arith.constant 0 : index
    %get3A_55 = arith.constant 32 : index
    %get3A_56 = vector.load %arg3[%get3A_54, %get3A_55] : memref<1000x128xf32, #tpu.memory_space<vmem>>, vector<1000x16xf32>
    %get3A_57 = arith.constant 0 : index
    %get3A_58 = arith.constant 0 : index
    %get3A_59 = vector.load %arg8[%get3A_57, %get3A_58] : memref<16x55xf32, #tpu.memory_space<vmem>>, vector<16x55xf32>
    %dot_general3A_60 = arith.constant dense<0.000000e+00> : vector<1000x55xf32>
    %dot_general3A_61 = tpu.matmul %get3A_56, %get3A_59, %dot_general3A_60 {dimension_numbers = #tpu.dot_dimension_numbers<[1], [0], [0], [1], [0, 0, 1, 1], [], []>, transpose_lhs_hint = false} : vector<1000x16xf32>, vector<16x55xf32>, vector<1000x55xf32> -> vector<1000x55xf32>
    %get3A_62 = arith.constant 0 : index
    %get3A_63 = arith.constant 32 : index
    %get3A_64 = vector.load %arg4[%get3A_62, %get3A_63] : memref<1000x128xf32, #tpu.memory_space<vmem>>, vector<1000x16xf32>
    %get3A_65 = arith.constant 0 : index
    %get3A_66 = arith.constant 0 : index
    %get3A_67 = vector.load %arg9[%get3A_65, %get3A_66] : memref<16x55xf32, #tpu.memory_space<vmem>>, vector<16x55xf32>
    %dot_general3A_68 = arith.constant dense<0.000000e+00> : vector<1000x55xf32>
    %dot_general3A_69 = tpu.matmul %get3A_64, %get3A_67, %dot_general3A_68 {dimension_numbers = #tpu.dot_dimension_numbers<[1], [0], [0], [1], [0, 0, 1, 1], [], []>, transpose_lhs_hint = false} : vector<1000x16xf32>, vector<16x55xf32>, vector<1000x55xf32> -> vector<1000x55xf32>
    %add3A_70 = arith.addf %dot_general3A_61, %dot_general3A_69 : vector<1000x55xf32>
    %get3A_71 = arith.constant 0 : index
    %get3A_72 = arith.constant 8 : index
    %get3A_73 = vector.load %arg6[%get3A_71, %get3A_72] : memref<1000x12xf32, #tpu.memory_space<vmem>>, vector<1000x4xf32>
    %get3A_74 = arith.constant 0 : index
    %get3A_75 = arith.constant 0 : index
    %get3A_76 = vector.load %arg10[%get3A_74, %get3A_75] : memref<4x55xf32, #tpu.memory_space<vmem>>, vector<4x55xf32>
    %dot_general3A_77 = arith.constant dense<0.000000e+00> : vector<1000x55xf32>
    %dot_general3A_78 = tpu.matmul %get3A_73, %get3A_76, %dot_general3A_77 {dimension_numbers = #tpu.dot_dimension_numbers<[1], [0], [0], [1], [0, 0, 1, 1], [], []>, transpose_lhs_hint = false} : vector<1000x4xf32>, vector<4x55xf32>, vector<1000x55xf32> -> vector<1000x55xf32>
    %add3A_79 = arith.addf %add3A_70, %dot_general3A_78 : vector<1000x55xf32>
    %slice3A_80 = vector.extract_strided_slice %add3A_79 {offsets = [0, 0], sizes = [1000, 36], strides = [1, 1]} : vector<1000x55xf32> to vector<1000x36xf32>
    %slice3A_81 = vector.extract_strided_slice %add3A_79 {offsets = [0, 0], sizes = [1000, 36], strides = [1, 1]} : vector<1000x55xf32> to vector<1000x36xf32>
    %mul3A_82 = arith.mulf %slice3A_80, %slice3A_81 : vector<1000x36xf32>
    %add3A_83 = arith.addf %add3A_53, %mul3A_82 : vector<1000x36xf32>
    %add3A_84 = arith.constant 9.99999993E-9 : f32
    %add3A_85 = vector.broadcast %add3A_84 : f32 to vector<1000x36xf32>
    %add3A_86 = arith.addf %add3A_83, %add3A_85 : vector<1000x36xf32>
    %sqrt3A = math.sqrt %add3A_86 : vector<1000x36xf32>
    %get3A_87 = arith.constant 0 : index
    %get3A_88 = arith.constant 0 : index
    %get3A_89 = vector.load %arg1[%get3A_87, %get3A_88] : memref<1000x128xf32, #tpu.memory_space<vmem>>, vector<1000x128xf32>
    %get3A_90 = arith.constant 0 : index
    %get3A_91 = arith.constant 0 : index
    %get3A_92 = vector.load %arg2[%get3A_90, %get3A_91] : memref<1000x128xf32, #tpu.memory_space<vmem>>, vector<1000x128xf32>
    %add3A_93 = arith.addf %get3A_89, %get3A_92 : vector<1000x128xf32>
    %get3A_94 = arith.constant 0 : index
    %get3A_95 = arith.constant 0 : index
    %get3A_96 = vector.load %arg14[%get3A_94, %get3A_95] : memref<1x128xf32, #tpu.memory_space<vmem>>, vector<1x128xf32>
    %add3A_97 = vector.broadcast %get3A_96 : vector<1x128xf32> to vector<1000x128xf32>
    %add3A_98 = arith.addf %add3A_93, %add3A_97 : vector<1000x128xf32>
    %get3A_99 = arith.constant 0 : index
    %get3A_100 = arith.constant 0 : index
    %get3A_101 = vector.load %arg5[%get3A_99, %get3A_100] : memref<1000x32xf32, #tpu.memory_space<vmem>>, vector<1000x32xf32>
    %get3A_102 = arith.constant 0 : index
    %get3A_103 = arith.constant 0 : index
    %get3A_104 = vector.load %arg11[%get3A_102, %get3A_103] : memref<32x128xf32, #tpu.memory_space<vmem>>, vector<32x128xf32>
    %dot_general3A_105 = arith.constant dense<0.000000e+00> : vector<1000x128xf32>
    %dot_general3A_106 = tpu.matmul %get3A_101, %get3A_104, %dot_general3A_105 {dimension_numbers = #tpu.dot_dimension_numbers<[1], [0], [0], [1], [0, 0, 1, 1], [], []>, transpose_lhs_hint = false} : vector<1000x32xf32>, vector<32x128xf32>, vector<1000x128xf32> -> vector<1000x128xf32>
    %add3A_107 = arith.addf %add3A_98, %dot_general3A_106 : vector<1000x128xf32>
    %get3A_108 = arith.constant 0 : index
    %get3A_109 = arith.constant 0 : index
    %get3A_110 = vector.load %arg12[%get3A_108, %get3A_109] : memref<36x128xf32, #tpu.memory_space<vmem>>, vector<36x128xf32>
    %dot_general3A_111 = arith.constant dense<0.000000e+00> : vector<1000x128xf32>
    %dot_general3A_112 = tpu.matmul %sqrt3A, %get3A_110, %dot_general3A_111 {dimension_numbers = #tpu.dot_dimension_numbers<[1], [0], [0], [1], [0, 0, 1, 1], [], []>, transpose_lhs_hint = false} : vector<1000x36xf32>, vector<36x128xf32>, vector<1000x128xf32> -> vector<1000x128xf32>
    %add3A_113 = arith.addf %add3A_107, %dot_general3A_112 : vector<1000x128xf32>
    %slice3A_114 = vector.extract_strided_slice %add3A_22 {offsets = [0, 36], sizes = [1000, 1], strides = [1, 1]} : vector<1000x55xf32> to vector<1000x1xf32>
    %get3A_115 = arith.constant 0 : index
    %get3A_116 = arith.constant 0 : index
    %get3A_117 = vector.load %arg7[%get3A_115, %get3A_116] : memref<1000x9xf32, #tpu.memory_space<vmem>>, vector<1000x1xf32>
    %mul3A_118 = arith.mulf %slice3A_114, %get3A_117 : vector<1000x1xf32>
    %slice3A_119 = vector.extract_strided_slice %add3A_49 {offsets = [0, 36], sizes = [1000, 1], strides = [1, 1]} : vector<1000x55xf32> to vector<1000x1xf32>
    %get3A_120 = arith.constant 0 : index
    %get3A_121 = arith.constant 1 : index
    %get3A_122 = vector.load %arg7[%get3A_120, %get3A_121] : memref<1000x9xf32, #tpu.memory_space<vmem>>, vector<1000x1xf32>
    %mul3A_123 = arith.mulf %slice3A_119, %get3A_122 : vector<1000x1xf32>
    %add3A_124 = arith.addf %mul3A_118, %mul3A_123 : vector<1000x1xf32>
    %slice3A_125 = vector.extract_strided_slice %add3A_79 {offsets = [0, 36], sizes = [1000, 1], strides = [1, 1]} : vector<1000x55xf32> to vector<1000x1xf32>
    %get3A_126 = arith.constant 0 : index
    %get3A_127 = arith.constant 2 : index
    %get3A_128 = vector.load %arg7[%get3A_126, %get3A_127] : memref<1000x9xf32, #tpu.memory_space<vmem>>, vector<1000x1xf32>
    %mul3A_129 = arith.mulf %slice3A_125, %get3A_128 : vector<1000x1xf32>
    %add3A_130 = arith.addf %add3A_124, %mul3A_129 : vector<1000x1xf32>
    %get3A_131 = arith.constant 0 : index
    %get3A_132 = arith.constant 0 : index
    %get3A_133 = vector.load %arg13[%get3A_131, %get3A_132] : memref<9x128xf32, #tpu.memory_space<vmem>>, vector<1x128xf32>
    %mul3A_134 = vector.broadcast %add3A_130 : vector<1000x1xf32> to vector<1000x128xf32>
    %mul3A_135 = vector.broadcast %get3A_133 : vector<1x128xf32> to vector<1000x128xf32>
    %mul3A_136 = arith.mulf %mul3A_134, %mul3A_135 : vector<1000x128xf32>
    %add3A_137 = arith.addf %add3A_113, %mul3A_136 : vector<1000x128xf32>
    %slice3A_138 = vector.extract_strided_slice %add3A_22 {offsets = [0, 36], sizes = [1000, 1], strides = [1, 1]} : vector<1000x55xf32> to vector<1000x1xf32>
    %get3A_139 = arith.constant 0 : index
    %get3A_140 = arith.constant 3 : index
    %get3A_141 = vector.load %arg7[%get3A_139, %get3A_140] : memref<1000x9xf32, #tpu.memory_space<vmem>>, vector<1000x1xf32>
    %mul3A_142 = arith.mulf %slice3A_138, %get3A_141 : vector<1000x1xf32>
    %slice3A_143 = vector.extract_strided_slice %add3A_49 {offsets = [0, 36], sizes = [1000, 1], strides = [1, 1]} : vector<1000x55xf32> to vector<1000x1xf32>
    %get3A_144 = arith.constant 0 : index
    %get3A_145 = arith.constant 4 : index
    %get3A_146 = vector.load %arg7[%get3A_144, %get3A_145] : memref<1000x9xf32, #tpu.memory_space<vmem>>, vector<1000x1xf32>
    %mul3A_147 = arith.mulf %slice3A_143, %get3A_146 : vector<1000x1xf32>
    %add3A_148 = arith.addf %mul3A_142, %mul3A_147 : vector<1000x1xf32>
    %slice3A_149 = vector.extract_strided_slice %add3A_79 {offsets = [0, 36], sizes = [1000, 1], strides = [1, 1]} : vector<1000x55xf32> to vector<1000x1xf32>
    %get3A_150 = arith.constant 0 : index
    %get3A_151 = arith.constant 5 : index
    %get3A_152 = vector.load %arg7[%get3A_150, %get3A_151] : memref<1000x9xf32, #tpu.memory_space<vmem>>, vector<1000x1xf32>
    %mul3A_153 = arith.mulf %slice3A_149, %get3A_152 : vector<1000x1xf32>
    %add3A_154 = arith.addf %add3A_148, %mul3A_153 : vector<1000x1xf32>
    %get3A_155 = arith.constant 1 : index
    %get3A_156 = arith.constant 0 : index
    %get3A_157 = vector.load %arg13[%get3A_155, %get3A_156] : memref<9x128xf32, #tpu.memory_space<vmem>>, vector<1x128xf32>
    %mul3A_158 = vector.broadcast %add3A_154 : vector<1000x1xf32> to vector<1000x128xf32>
    %mul3A_159 = vector.broadcast %get3A_157 : vector<1x128xf32> to vector<1000x128xf32>
    %mul3A_160 = arith.mulf %mul3A_158, %mul3A_159 : vector<1000x128xf32>
    %add3A_161 = arith.addf %add3A_137, %mul3A_160 : vector<1000x128xf32>
    %slice3A_162 = vector.extract_strided_slice %add3A_22 {offsets = [0, 36], sizes = [1000, 1], strides = [1, 1]} : vector<1000x55xf32> to vector<1000x1xf32>
    %get3A_163 = arith.constant 0 : index
    %get3A_164 = arith.constant 6 : index
    %get3A_165 = vector.load %arg7[%get3A_163, %get3A_164] : memref<1000x9xf32, #tpu.memory_space<vmem>>, vector<1000x1xf32>
    %mul3A_166 = arith.mulf %slice3A_162, %get3A_165 : vector<1000x1xf32>
    %slice3A_167 = vector.extract_strided_slice %add3A_49 {offsets = [0, 36], sizes = [1000, 1], strides = [1, 1]} : vector<1000x55xf32> to vector<1000x1xf32>
    %get3A_168 = arith.constant 0 : index
    %get3A_169 = arith.constant 7 : index
    %get3A_170 = vector.load %arg7[%get3A_168, %get3A_169] : memref<1000x9xf32, #tpu.memory_space<vmem>>, vector<1000x1xf32>
    %mul3A_171 = arith.mulf %slice3A_167, %get3A_170 : vector<1000x1xf32>
    %add3A_172 = arith.addf %mul3A_166, %mul3A_171 : vector<1000x1xf32>
    %slice3A_173 = vector.extract_strided_slice %add3A_79 {offsets = [0, 36], sizes = [1000, 1], strides = [1, 1]} : vector<1000x55xf32> to vector<1000x1xf32>
    %get3A_174 = arith.constant 0 : index
    %get3A_175 = arith.constant 8 : index
    %get3A_176 = vector.load %arg7[%get3A_174, %get3A_175] : memref<1000x9xf32, #tpu.memory_space<vmem>>, vector<1000x1xf32>
    %mul3A_177 = arith.mulf %slice3A_173, %get3A_176 : vector<1000x1xf32>
    %add3A_178 = arith.addf %add3A_172, %mul3A_177 : vector<1000x1xf32>
    %get3A_179 = arith.constant 2 : index
    %get3A_180 = arith.constant 0 : index
    %get3A_181 = vector.load %arg13[%get3A_179, %get3A_180] : memref<9x128xf32, #tpu.memory_space<vmem>>, vector<1x128xf32>
    %mul3A_182 = vector.broadcast %add3A_178 : vector<1000x1xf32> to vector<1000x128xf32>
    %mul3A_183 = vector.broadcast %get3A_181 : vector<1x128xf32> to vector<1000x128xf32>
    %mul3A_184 = arith.mulf %mul3A_182, %mul3A_183 : vector<1000x128xf32>
    %add3A_185 = arith.addf %add3A_161, %mul3A_184 : vector<1000x128xf32>
    %slice3A_186 = vector.extract_strided_slice %add3A_22 {offsets = [0, 37], sizes = [1000, 1], strides = [1, 1]} : vector<1000x55xf32> to vector<1000x1xf32>
    %get3A_187 = arith.constant 0 : index
    %get3A_188 = arith.constant 0 : index
    %get3A_189 = vector.load %arg7[%get3A_187, %get3A_188] : memref<1000x9xf32, #tpu.memory_space<vmem>>, vector<1000x1xf32>
    %mul3A_190 = arith.mulf %slice3A_186, %get3A_189 : vector<1000x1xf32>
    %slice3A_191 = vector.extract_strided_slice %add3A_49 {offsets = [0, 37], sizes = [1000, 1], strides = [1, 1]} : vector<1000x55xf32> to vector<1000x1xf32>
    %get3A_192 = arith.constant 0 : index
    %get3A_193 = arith.constant 1 : index
    %get3A_194 = vector.load %arg7[%get3A_192, %get3A_193] : memref<1000x9xf32, #tpu.memory_space<vmem>>, vector<1000x1xf32>
    %mul3A_195 = arith.mulf %slice3A_191, %get3A_194 : vector<1000x1xf32>
    %add3A_196 = arith.addf %mul3A_190, %mul3A_195 : vector<1000x1xf32>
    %slice3A_197 = vector.extract_strided_slice %add3A_79 {offsets = [0, 37], sizes = [1000, 1], strides = [1, 1]} : vector<1000x55xf32> to vector<1000x1xf32>
    %get3A_198 = arith.constant 0 : index
    %get3A_199 = arith.constant 2 : index
    %get3A_200 = vector.load %arg7[%get3A_198, %get3A_199] : memref<1000x9xf32, #tpu.memory_space<vmem>>, vector<1000x1xf32>
    %mul3A_201 = arith.mulf %slice3A_197, %get3A_200 : vector<1000x1xf32>
    %add3A_202 = arith.addf %add3A_196, %mul3A_201 : vector<1000x1xf32>
    %get3A_203 = arith.constant 3 : index
    %get3A_204 = arith.constant 0 : index
    %get3A_205 = vector.load %arg13[%get3A_203, %get3A_204] : memref<9x128xf32, #tpu.memory_space<vmem>>, vector<1x128xf32>
    %mul3A_206 = vector.broadcast %add3A_202 : vector<1000x1xf32> to vector<1000x128xf32>
    %mul3A_207 = vector.broadcast %get3A_205 : vector<1x128xf32> to vector<1000x128xf32>
    %mul3A_208 = arith.mulf %mul3A_206, %mul3A_207 : vector<1000x128xf32>
    %add3A_209 = arith.addf %add3A_185, %mul3A_208 : vector<1000x128xf32>
    %slice3A_210 = vector.extract_strided_slice %add3A_22 {offsets = [0, 37], sizes = [1000, 1], strides = [1, 1]} : vector<1000x55xf32> to vector<1000x1xf32>
    %get3A_211 = arith.constant 0 : index
    %get3A_212 = arith.constant 3 : index
    %get3A_213 = vector.load %arg7[%get3A_211, %get3A_212] : memref<1000x9xf32, #tpu.memory_space<vmem>>, vector<1000x1xf32>
    %mul3A_214 = arith.mulf %slice3A_210, %get3A_213 : vector<1000x1xf32>
    %slice3A_215 = vector.extract_strided_slice %add3A_49 {offsets = [0, 37], sizes = [1000, 1], strides = [1, 1]} : vector<1000x55xf32> to vector<1000x1xf32>
    %get3A_216 = arith.constant 0 : index
    %get3A_217 = arith.constant 4 : index
    %get3A_218 = vector.load %arg7[%get3A_216, %get3A_217] : memref<1000x9xf32, #tpu.memory_space<vmem>>, vector<1000x1xf32>
    %mul3A_219 = arith.mulf %slice3A_215, %get3A_218 : vector<1000x1xf32>
    %add3A_220 = arith.addf %mul3A_214, %mul3A_219 : vector<1000x1xf32>
    %slice3A_221 = vector.extract_strided_slice %add3A_79 {offsets = [0, 37], sizes = [1000, 1], strides = [1, 1]} : vector<1000x55xf32> to vector<1000x1xf32>
    %get3A_222 = arith.constant 0 : index
    %get3A_223 = arith.constant 5 : index
    %get3A_224 = vector.load %arg7[%get3A_222, %get3A_223] : memref<1000x9xf32, #tpu.memory_space<vmem>>, vector<1000x1xf32>
    %mul3A_225 = arith.mulf %slice3A_221, %get3A_224 : vector<1000x1xf32>
    %add3A_226 = arith.addf %add3A_220, %mul3A_225 : vector<1000x1xf32>
    %get3A_227 = arith.constant 4 : index
    %get3A_228 = arith.constant 0 : index
    %get3A_229 = vector.load %arg13[%get3A_227, %get3A_228] : memref<9x128xf32, #tpu.memory_space<vmem>>, vector<1x128xf32>
    %mul3A_230 = vector.broadcast %add3A_226 : vector<1000x1xf32> to vector<1000x128xf32>
    %mul3A_231 = vector.broadcast %get3A_229 : vector<1x128xf32> to vector<1000x128xf32>
    %mul3A_232 = arith.mulf %mul3A_230, %mul3A_231 : vector<1000x128xf32>
    %add3A_233 = arith.addf %add3A_209, %mul3A_232 : vector<1000x128xf32>
    %slice3A_234 = vector.extract_strided_slice %add3A_22 {offsets = [0, 37], sizes = [1000, 1], strides = [1, 1]} : vector<1000x55xf32> to vector<1000x1xf32>
    %get3A_235 = arith.constant 0 : index
    %get3A_236 = arith.constant 6 : index
    %get3A_237 = vector.load %arg7[%get3A_235, %get3A_236] : memref<1000x9xf32, #tpu.memory_space<vmem>>, vector<1000x1xf32>
    %mul3A_238 = arith.mulf %slice3A_234, %get3A_237 : vector<1000x1xf32>
    %slice3A_239 = vector.extract_strided_slice %add3A_49 {offsets = [0, 37], sizes = [1000, 1], strides = [1, 1]} : vector<1000x55xf32> to vector<1000x1xf32>
    %get3A_240 = arith.constant 0 : index
    %get3A_241 = arith.constant 7 : index
    %get3A_242 = vector.load %arg7[%get3A_240, %get3A_241] : memref<1000x9xf32, #tpu.memory_space<vmem>>, vector<1000x1xf32>
    %mul3A_243 = arith.mulf %slice3A_239, %get3A_242 : vector<1000x1xf32>
    %add3A_244 = arith.addf %mul3A_238, %mul3A_243 : vector<1000x1xf32>
    %slice3A_245 = vector.extract_strided_slice %add3A_79 {offsets = [0, 37], sizes = [1000, 1], strides = [1, 1]} : vector<1000x55xf32> to vector<1000x1xf32>
    %get3A_246 = arith.constant 0 : index
    %get3A_247 = arith.constant 8 : index
    %get3A_248 = vector.load %arg7[%get3A_246, %get3A_247] : memref<1000x9xf32, #tpu.memory_space<vmem>>, vector<1000x1xf32>
    %mul3A_249 = arith.mulf %slice3A_245, %get3A_248 : vector<1000x1xf32>
    %add3A_250 = arith.addf %add3A_244, %mul3A_249 : vector<1000x1xf32>
    %get3A_251 = arith.constant 5 : index
    %get3A_252 = arith.constant 0 : index
    %get3A_253 = vector.load %arg13[%get3A_251, %get3A_252] : memref<9x128xf32, #tpu.memory_space<vmem>>, vector<1x128xf32>
    %mul3A_254 = vector.broadcast %add3A_250 : vector<1000x1xf32> to vector<1000x128xf32>
    %mul3A_255 = vector.broadcast %get3A_253 : vector<1x128xf32> to vector<1000x128xf32>
    %mul3A_256 = arith.mulf %mul3A_254, %mul3A_255 : vector<1000x128xf32>
    %add3A_257 = arith.addf %add3A_233, %mul3A_256 : vector<1000x128xf32>
    %slice3A_258 = vector.extract_strided_slice %add3A_22 {offsets = [0, 38], sizes = [1000, 1], strides = [1, 1]} : vector<1000x55xf32> to vector<1000x1xf32>
    %get3A_259 = arith.constant 0 : index
    %get3A_260 = arith.constant 0 : index
    %get3A_261 = vector.load %arg7[%get3A_259, %get3A_260] : memref<1000x9xf32, #tpu.memory_space<vmem>>, vector<1000x1xf32>
    %mul3A_262 = arith.mulf %slice3A_258, %get3A_261 : vector<1000x1xf32>
    %slice3A_263 = vector.extract_strided_slice %add3A_49 {offsets = [0, 38], sizes = [1000, 1], strides = [1, 1]} : vector<1000x55xf32> to vector<1000x1xf32>
    %get3A_264 = arith.constant 0 : index
    %get3A_265 = arith.constant 1 : index
    %get3A_266 = vector.load %arg7[%get3A_264, %get3A_265] : memref<1000x9xf32, #tpu.memory_space<vmem>>, vector<1000x1xf32>
    %mul3A_267 = arith.mulf %slice3A_263, %get3A_266 : vector<1000x1xf32>
    %add3A_268 = arith.addf %mul3A_262, %mul3A_267 : vector<1000x1xf32>
    %slice3A_269 = vector.extract_strided_slice %add3A_79 {offsets = [0, 38], sizes = [1000, 1], strides = [1, 1]} : vector<1000x55xf32> to vector<1000x1xf32>
    %get3A_270 = arith.constant 0 : index
    %get3A_271 = arith.constant 2 : index
    %get3A_272 = vector.load %arg7[%get3A_270, %get3A_271] : memref<1000x9xf32, #tpu.memory_space<vmem>>, vector<1000x1xf32>
    %mul3A_273 = arith.mulf %slice3A_269, %get3A_272 : vector<1000x1xf32>
    %add3A_274 = arith.addf %add3A_268, %mul3A_273 : vector<1000x1xf32>
    %get3A_275 = arith.constant 6 : index
    %get3A_276 = arith.constant 0 : index
    %get3A_277 = vector.load %arg13[%get3A_275, %get3A_276] : memref<9x128xf32, #tpu.memory_space<vmem>>, vector<1x128xf32>
    %mul3A_278 = vector.broadcast %add3A_274 : vector<1000x1xf32> to vector<1000x128xf32>
    %mul3A_279 = vector.broadcast %get3A_277 : vector<1x128xf32> to vector<1000x128xf32>
    %mul3A_280 = arith.mulf %mul3A_278, %mul3A_279 : vector<1000x128xf32>
    %add3A_281 = arith.addf %add3A_257, %mul3A_280 : vector<1000x128xf32>
    %slice3A_282 = vector.extract_strided_slice %add3A_22 {offsets = [0, 38], sizes = [1000, 1], strides = [1, 1]} : vector<1000x55xf32> to vector<1000x1xf32>
    %get3A_283 = arith.constant 0 : index
    %get3A_284 = arith.constant 3 : index
    %get3A_285 = vector.load %arg7[%get3A_283, %get3A_284] : memref<1000x9xf32, #tpu.memory_space<vmem>>, vector<1000x1xf32>
    %mul3A_286 = arith.mulf %slice3A_282, %get3A_285 : vector<1000x1xf32>
    %slice3A_287 = vector.extract_strided_slice %add3A_49 {offsets = [0, 38], sizes = [1000, 1], strides = [1, 1]} : vector<1000x55xf32> to vector<1000x1xf32>
    %get3A_288 = arith.constant 0 : index
    %get3A_289 = arith.constant 4 : index
    %get3A_290 = vector.load %arg7[%get3A_288, %get3A_289] : memref<1000x9xf32, #tpu.memory_space<vmem>>, vector<1000x1xf32>
    %mul3A_291 = arith.mulf %slice3A_287, %get3A_290 : vector<1000x1xf32>
    %add3A_292 = arith.addf %mul3A_286, %mul3A_291 : vector<1000x1xf32>
    %slice3A_293 = vector.extract_strided_slice %add3A_79 {offsets = [0, 38], sizes = [1000, 1], strides = [1, 1]} : vector<1000x55xf32> to vector<1000x1xf32>
    %get3A_294 = arith.constant 0 : index
    %get3A_295 = arith.constant 5 : index
    %get3A_296 = vector.load %arg7[%get3A_294, %get3A_295] : memref<1000x9xf32, #tpu.memory_space<vmem>>, vector<1000x1xf32>
    %mul3A_297 = arith.mulf %slice3A_293, %get3A_296 : vector<1000x1xf32>
    %add3A_298 = arith.addf %add3A_292, %mul3A_297 : vector<1000x1xf32>
    %get3A_299 = arith.constant 7 : index
    %get3A_300 = arith.constant 0 : index
    %get3A_301 = vector.load %arg13[%get3A_299, %get3A_300] : memref<9x128xf32, #tpu.memory_space<vmem>>, vector<1x128xf32>
    %mul3A_302 = vector.broadcast %add3A_298 : vector<1000x1xf32> to vector<1000x128xf32>
    %mul3A_303 = vector.broadcast %get3A_301 : vector<1x128xf32> to vector<1000x128xf32>
    %mul3A_304 = arith.mulf %mul3A_302, %mul3A_303 : vector<1000x128xf32>
    %add3A_305 = arith.addf %add3A_281, %mul3A_304 : vector<1000x128xf32>
    %slice3A_306 = vector.extract_strided_slice %add3A_22 {offsets = [0, 38], sizes = [1000, 1], strides = [1, 1]} : vector<1000x55xf32> to vector<1000x1xf32>
    %get3A_307 = arith.constant 0 : index
    %get3A_308 = arith.constant 6 : index
    %get3A_309 = vector.load %arg7[%get3A_307, %get3A_308] : memref<1000x9xf32, #tpu.memory_space<vmem>>, vector<1000x1xf32>
    %mul3A_310 = arith.mulf %slice3A_306, %get3A_309 : vector<1000x1xf32>
    %slice3A_311 = vector.extract_strided_slice %add3A_49 {offsets = [0, 38], sizes = [1000, 1], strides = [1, 1]} : vector<1000x55xf32> to vector<1000x1xf32>
    %get3A_312 = arith.constant 0 : index
    %get3A_313 = arith.constant 7 : index
    %get3A_314 = vector.load %arg7[%get3A_312, %get3A_313] : memref<1000x9xf32, #tpu.memory_space<vmem>>, vector<1000x1xf32>
    %mul3A_315 = arith.mulf %slice3A_311, %get3A_314 : vector<1000x1xf32>
    %add3A_316 = arith.addf %mul3A_310, %mul3A_315 : vector<1000x1xf32>
    %slice3A_317 = vector.extract_strided_slice %add3A_79 {offsets = [0, 38], sizes = [1000, 1], strides = [1, 1]} : vector<1000x55xf32> to vector<1000x1xf32>
    %get3A_318 = arith.constant 0 : index
    %get3A_319 = arith.constant 8 : index
    %get3A_320 = vector.load %arg7[%get3A_318, %get3A_319] : memref<1000x9xf32, #tpu.memory_space<vmem>>, vector<1000x1xf32>
    %mul3A_321 = arith.mulf %slice3A_317, %get3A_320 : vector<1000x1xf32>
    %add3A_322 = arith.addf %add3A_316, %mul3A_321 : vector<1000x1xf32>
    %get3A_323 = arith.constant 8 : index
    %get3A_324 = arith.constant 0 : index
    %get3A_325 = vector.load %arg13[%get3A_323, %get3A_324] : memref<9x128xf32, #tpu.memory_space<vmem>>, vector<1x128xf32>
    %mul3A_326 = vector.broadcast %add3A_322 : vector<1000x1xf32> to vector<1000x128xf32>
    %mul3A_327 = vector.broadcast %get3A_325 : vector<1x128xf32> to vector<1000x128xf32>
    %mul3A_328 = arith.mulf %mul3A_326, %mul3A_327 : vector<1000x128xf32>
    %add3A_329 = arith.addf %add3A_305, %mul3A_328 : vector<1000x128xf32>
    %logistic3A = arith.negf %add3A_329 : vector<1000x128xf32>
    %logistic3A_330 = math.exp %logistic3A : vector<1000x128xf32>
    %logistic3A_331 = arith.constant 1.000000e+00 : f32
    %logistic3A_332 = vector.broadcast %logistic3A_331 : f32 to vector<1000x128xf32>
    %logistic3A_333 = arith.addf %logistic3A_332, %logistic3A_330 : vector<1000x128xf32>
    %logistic3A_334 = arith.divf %logistic3A_332, %logistic3A_333 : vector<1000x128xf32>
    %mul3A_335 = arith.mulf %add3A_329, %logistic3A_334 : vector<1000x128xf32>
    %get3A_336 = arith.constant 0 : index
    %get3A_337 = arith.constant 0 : index
    %get3A_338 = vector.load %arg15[%get3A_336, %get3A_337] : memref<128x16xf32, #tpu.memory_space<vmem>>, vector<128x16xf32>
    %dot_general3A_339 = arith.constant dense<0.000000e+00> : vector<1000x16xf32>
    %dot_general3A_340 = tpu.matmul %mul3A_335, %get3A_338, %dot_general3A_339 {dimension_numbers = #tpu.dot_dimension_numbers<[1], [0], [0], [1], [0, 0, 1, 1], [], []>, transpose_lhs_hint = false} : vector<1000x128xf32>, vector<128x16xf32>, vector<1000x16xf32> -> vector<1000x16xf32>
    %get3A_341 = arith.constant 0 : index
    %get3A_342 = arith.constant 0 : index
    %get3A_343 = vector.load %arg16[%get3A_341, %get3A_342] : memref<1x16xf32, #tpu.memory_space<vmem>>, vector<1x16xf32>
    %add3A_344 = vector.broadcast %get3A_343 : vector<1x16xf32> to vector<1000x16xf32>
    %add3A_345 = arith.addf %dot_general3A_340, %add3A_344 : vector<1000x16xf32>
    %logistic3A_346 = arith.negf %add3A_345 : vector<1000x16xf32>
    %logistic3A_347 = math.exp %logistic3A_346 : vector<1000x16xf32>
    %logistic3A_348 = arith.constant 1.000000e+00 : f32
    %logistic3A_349 = vector.broadcast %logistic3A_348 : f32 to vector<1000x16xf32>
    %logistic3A_350 = arith.addf %logistic3A_349, %logistic3A_347 : vector<1000x16xf32>
    %logistic3A_351 = arith.divf %logistic3A_349, %logistic3A_350 : vector<1000x16xf32>
    %swap3A = arith.constant 0 : index
    %swap3A_352 = arith.constant 0 : index
    %swap3A_353 = arith.constant 0 : index
    %swap3A_354 = vector.load %arg17[%swap3A, %swap3A_352, %swap3A_353] : memref<2x1000x128xf32, #tpu.memory_space<vmem>>, vector<1x1000x128xf32>
    %swap3A_355 = vector.shape_cast %swap3A_354 : vector<1x1000x128xf32> to vector<1000x128xf32>
    %swap3A_356 = vector.shape_cast %mul3A_335 : vector<1000x128xf32> to vector<1x1000x128xf32>
    tpu.vector_store %arg17[%swap3A, %swap3A_352, %swap3A_353], %swap3A_356 {strides = array<i32>} : memref<2x1000x128xf32, #tpu.memory_space<vmem>>, vector<1x1000x128xf32>,
    %slice3A_357 = vector.extract_strided_slice %add3A_22 {offsets = [0, 39], sizes = [1000, 16], strides = [1, 1]} : vector<1000x55xf32> to vector<1000x16xf32>
    %mul3A_358 = arith.mulf %slice3A_357, %logistic3A_351 : vector<1000x16xf32>
    %slice3A_359 = vector.extract_strided_slice %add3A_49 {offsets = [0, 39], sizes = [1000, 16], strides = [1, 1]} : vector<1000x55xf32> to vector<1000x16xf32>
    %mul3A_360 = arith.mulf %slice3A_359, %logistic3A_351 : vector<1000x16xf32>
    %slice3A_361 = vector.extract_strided_slice %add3A_79 {offsets = [0, 39], sizes = [1000, 16], strides = [1, 1]} : vector<1000x55xf32> to vector<1000x16xf32>
    %mul3A_362 = arith.mulf %slice3A_361, %logistic3A_351 : vector<1000x16xf32>
    %broadcast_in_dim3A = arith.constant 0.000000e+00 : f32
    %broadcast_in_dim3A_363 = vector.broadcast %broadcast_in_dim3A : f32 to vector<1000x80xf32>
    %concatenate3A = tpu.concatenate %mul3A_358, %mul3A_360, %mul3A_362, %broadcast_in_dim3A_363 in 1 : vector<1000x16xf32>, vector<1000x16xf32>, vector<1000x16xf32>, vector<1000x80xf32> -> vector<1000x128xf32>
    %swap3A_364 = arith.constant 1 : index
    %swap3A_365 = arith.constant 0 : index
    %swap3A_366 = arith.constant 0 : index
    %swap3A_367 = vector.load %arg17[%swap3A_364, %swap3A_365, %swap3A_366] : memref<2x1000x128xf32, #tpu.memory_space<vmem>>, vector<1x1000x128xf32>
    %swap3A_368 = vector.shape_cast %swap3A_367 : vector<1x1000x128xf32> to vector<1000x128xf32>
    %swap3A_369 = vector.shape_cast %concatenate3A : vector<1000x128xf32> to vector<1x1000x128xf32>
    tpu.vector_store %arg17[%swap3A_364, %swap3A_365, %swap3A_366], %swap3A_369 {strides = array<i32>} : memref<2x1000x128xf32, #tpu.memory_space<vmem>>, vector<1x1000x128xf32>,
    return
  }
  func.func @transform_0(%arg0: i32) -> (i32, i32) {
    %c0_i32 = arith.constant 0 : i32
    %c0_i32_0 = arith.constant 0 : i32
    return %arg0, %c0_i32 : i32, i32
  }
  func.func @transform_1(%arg0: i32) -> (i32, i32) {
    %c0_i32 = arith.constant 0 : i32
    %c0_i32_0 = arith.constant 0 : i32
    return %arg0, %c0_i32 : i32, i32
  }
  func.func @transform_2(%arg0: i32) -> (i32, i32) {
    %c0_i32 = arith.constant 0 : i32
    %c0_i32_0 = arith.constant 0 : i32
    return %arg0, %c0_i32 : i32, i32
  }
  func.func @transform_3(%arg0: i32) -> (i32, i32) {
    %c0_i32 = arith.constant 0 : i32
    %c0_i32_0 = arith.constant 0 : i32
    return %arg0, %c0_i32 : i32, i32
  }
  func.func @transform_4(%arg0: i32) -> (i32, i32) {
    %c0_i32 = arith.constant 0 : i32
    %c0_i32_0 = arith.constant 0 : i32
    return %arg0, %c0_i32 : i32, i32
  }
  func.func @transform_5(%arg0: i32) -> (i32, i32) {
    %c0_i32 = arith.constant 0 : i32
    %c0_i32_0 = arith.constant 0 : i32
    return %arg0, %c0_i32 : i32, i32
  }
  func.func @transform_6(%arg0: i32) -> (i32, i32) {
    %c0_i32 = arith.constant 0 : i32
    %c0_i32_0 = arith.constant 0 : i32
    return %arg0, %c0_i32 : i32, i32
  }
  func.func @transform_7(%arg0: i32) -> (i32, i32) {
    %c0_i32 = arith.constant 0 : i32
    %c0_i32_0 = arith.constant 0 : i32
    %c0_i32_1 = arith.constant 0 : i32
    return %c0_i32, %c0_i32_0 : i32, i32
  }
  func.func @transform_8(%arg0: i32) -> (i32, i32) {
    %c0_i32 = arith.constant 0 : i32
    %c0_i32_0 = arith.constant 0 : i32
    %c0_i32_1 = arith.constant 0 : i32
    return %c0_i32, %c0_i32_0 : i32, i32
  }
  func.func @transform_9(%arg0: i32) -> (i32, i32) {
    %c0_i32 = arith.constant 0 : i32
    %c0_i32_0 = arith.constant 0 : i32
    %c0_i32_1 = arith.constant 0 : i32
    return %c0_i32, %c0_i32_0 : i32, i32
  }
  func.func @transform_10(%arg0: i32) -> (i32, i32) {
    %c0_i32 = arith.constant 0 : i32
    %c0_i32_0 = arith.constant 0 : i32
    %c0_i32_1 = arith.constant 0 : i32
    return %c0_i32, %c0_i32_0 : i32, i32
  }
  func.func @transform_11(%arg0: i32) -> (i32, i32) {
    %c0_i32 = arith.constant 0 : i32
    %c0_i32_0 = arith.constant 0 : i32
    %c0_i32_1 = arith.constant 0 : i32
    return %c0_i32, %c0_i32_0 : i32, i32
  }
  func.func @transform_12(%arg0: i32) -> (i32, i32) {
    %c0_i32 = arith.constant 0 : i32
    %c0_i32_0 = arith.constant 0 : i32
    %c0_i32_1 = arith.constant 0 : i32
    return %c0_i32, %c0_i32_0 : i32, i32
  }
  func.func @transform_13(%arg0: i32) -> (i32, i32) {
    %c0_i32 = arith.constant 0 : i32
    %c0_i32_0 = arith.constant 0 : i32
    %c0_i32_1 = arith.constant 0 : i32
    return %c0_i32, %c0_i32_0 : i32, i32
  }
  func.func @transform_14(%arg0: i32) -> (i32, i32) {
    %c0_i32 = arith.constant 0 : i32
    %c0_i32_0 = arith.constant 0 : i32
    %c0_i32_1 = arith.constant 0 : i32
    return %c0_i32, %c0_i32_0 : i32, i32
  }
  func.func @transform_15(%arg0: i32) -> (i32, i32) {
    %c0_i32 = arith.constant 0 : i32
    %c0_i32_0 = arith.constant 0 : i32
    %c0_i32_1 = arith.constant 0 : i32
    return %c0_i32, %c0_i32_0 : i32, i32
  }
  func.func @transform_16(%arg0: i32) -> (i32, i32, i32) {
    %c0_i32 = arith.constant 0 : i32
    %c0_i32_0 = arith.constant 0 : i32
    %c0_i32_1 = arith.constant 0 : i32
    return %c0_i32, %arg0, %c0_i32_0 : i32, i32, i32
  }
}

module attributes {stable_mosaic.version = 14 : i64} {
  func.func @_final_body(%arg0: i32, %arg1: memref<1x400x128xf32, #tpu.memory_space<vmem>>, %arg2: memref<1x400x128xf32, #tpu.memory_space<vmem>>, %arg3: memref<400x128xf32, #tpu.memory_space<vmem>>, %arg4: memref<400x16x3xf32, #tpu.memory_space<vmem>>) attributes {dimension_semantics = [#tpu.dimension_semantics<arbitrary>], iteration_bounds = array<i64: 25>, scalar_prefetch = 0 : i64, scratch_operands = 0 : i64, tpu.core_type = #tpu.core_type<tc>, window_params = [{transform_indices = @transform_0, window_bounds = array<i64: 1, 400, 128>}, {transform_indices = @transform_1, window_bounds = array<i64: 1, 400, 128>}, {transform_indices = @transform_2, window_bounds = array<i64: 400, 128>}, {transform_indices = @transform_3, window_bounds = array<i64: 400, 16, 3>}]} {
    %get3A = arith.constant 0 : index
    %get3A_0 = arith.constant 0 : index
    %get3A_1 = arith.constant 0 : index
    %get3A_2 = vector.load %arg1[%get3A, %get3A_0, %get3A_1] : memref<1x400x128xf32, #tpu.memory_space<vmem>>, vector<1x400x128xf32>
    %get3A_3 = vector.shape_cast %get3A_2 : vector<1x400x128xf32> to vector<400x128xf32>
    %swap3A = arith.constant 0 : index
    %swap3A_4 = arith.constant 0 : index
    %swap3A_5 = vector.load %arg3[%swap3A, %swap3A_4] : memref<400x128xf32, #tpu.memory_space<vmem>>, vector<400x128xf32>
    tpu.vector_store %arg3[%swap3A, %swap3A_4], %get3A_3 {strides = array<i32>} : memref<400x128xf32, #tpu.memory_space<vmem>>, vector<400x128xf32>,
    %get3A_6 = arith.constant 0 : index
    %get3A_7 = arith.constant 0 : index
    %get3A_8 = arith.constant 0 : index
    %get3A_9 = vector.load %arg2[%get3A_6, %get3A_7, %get3A_8] : memref<1x400x128xf32, #tpu.memory_space<vmem>>, vector<1x400x128xf32>
    %get3A_10 = vector.shape_cast %get3A_9 : vector<1x400x128xf32> to vector<400x128xf32>
    %slice3A = vector.extract_strided_slice %get3A_10 {offsets = [0, 0], sizes = [400, 48], strides = [1, 1]} : vector<400x128xf32> to vector<400x48xf32>
    %reshape3A = vector.shape_cast %slice3A : vector<400x48xf32> to vector<400x3x16xf32>
    %transpose3A = tpu.transpose %reshape3A, [0, 2, 1] : vector<400x3x16xf32> -> vector<400x16x3xf32>
    %swap3A_11 = arith.constant 0 : index
    %swap3A_12 = arith.constant 0 : index
    %swap3A_13 = arith.constant 0 : index
    %swap3A_14 = vector.load %arg4[%swap3A_11, %swap3A_12, %swap3A_13] : memref<400x16x3xf32, #tpu.memory_space<vmem>>, vector<400x16x3xf32>
    tpu.vector_store %arg4[%swap3A_11, %swap3A_12, %swap3A_13], %transpose3A {strides = array<i32>} : memref<400x16x3xf32, #tpu.memory_space<vmem>>, vector<400x16x3xf32>,
    return
  }
  func.func @transform_0(%arg0: i32) -> (i32, i32, i32) {
    %c0_i32 = arith.constant 0 : i32
    %c0_i32_0 = arith.constant 0 : i32
    %c0_i32_1 = arith.constant 0 : i32
    return %c0_i32, %arg0, %c0_i32_0 : i32, i32, i32
  }
  func.func @transform_1(%arg0: i32) -> (i32, i32, i32) {
    %c1_i32 = arith.constant 1 : i32
    %c0_i32 = arith.constant 0 : i32
    %c0_i32_0 = arith.constant 0 : i32
    return %c1_i32, %arg0, %c0_i32 : i32, i32, i32
  }
  func.func @transform_2(%arg0: i32) -> (i32, i32) {
    %c0_i32 = arith.constant 0 : i32
    %c0_i32_0 = arith.constant 0 : i32
    return %arg0, %c0_i32 : i32, i32
  }
  func.func @transform_3(%arg0: i32) -> (i32, i32, i32) {
    %c0_i32 = arith.constant 0 : i32
    %c0_i32_0 = arith.constant 0 : i32
    %c0_i32_1 = arith.constant 0 : i32
    return %arg0, %c0_i32, %c0_i32_0 : i32, i32, i32
  }
}

</mosaic_0001>

<sc_bundles>
// kernel: _run.10.cloned.1.call-start
scs
__scs_entry_jumppad:
0x0: {  	(pc) =	sbr.rel $0x88, $3  }
0x1: {  	(tag) =	ssettag $0x0;
	lr =	simm.s32 $0x1  }
0x2: {  	[smem:$0x3F94] =	sst lr;
	_ =	strace $0xD0000000  }
0x3: {  	_ = 	snop  }
0x4: {  	_ = 	snop  }
0x5: {  	_ = 	snop  }
0x6: {  	_ = 	snop  }
0x7: {  	_ = 	snop  }
__scs_overlays_trampoline_lowered:
0x8: {  	[smem:$0x3FA3] =	sst s0  }
0x9: {  	[smem:$0x3FA4] =	sst s1  }
0xa: {  	[smem:$0x3FA5] =	sst s2  }
0xb: {  	[smem:$0x3FA6] =	sst s3  }
0xc: {  	[smem:$0x3FA7] =	sst s4  }
0xd: {  	[smem:$0x3FA8] =	sst s5  }
0xe: {  	[smem:$0x3FA9] =	sst s6  }
0xf: {  	[smem:$0x3FAA] =	sst s7  }
0x10: {  	[smem:$0x3FAB] =	sst s8  }
0x11: {  	[smem:$0x3FAC] =	sst s9;
	s0 =	simm.s32 @!p0 $0x0  }
0x12: {  	s1 =	sld [smem:$0x3F92];
	s0 =	simm.s32 @p0 $0x1  }
0x13: {  	[smem:$0x3FAD] =	sst s0;
	s0 =	simm.s32 @!p1 $0x0  }
0x14: {  	s2 =	sld [smem:$0x3F91];
	s0 =	simm.s32 @p1 $0x1  }
0x15: {  	[smem:$0x3FAE] =	sst s0;
	s0 =	simm.s32 @!p2 $0x0  }
0x16: {  	s3 =	sld [smem:$0x3FDB];
	s0 =	simm.s32 @p2 $0x1  }
0x17: {  	s4 =	simm.s32 $0x1BF5;
	[smem:$0x3FB0] =	sst s0  }
0x18: {  	s0 =	sld [smem:$0x3F93];
	_ =	swait.ge [sflag:s4], $0x0  }
0x19: {  	s7 =	sld [smem:$0x3F94]  }
0x1a: {  	s8 =	sadd.s32 $0xFFFFE003, lr  }
0x1b: {  	s9 =	sadd.s32 $0xFFFFFEF7, lr;
	s5 =	simm.s32 $0xFFFFFFFF;
	p2 =	slt.u32 s8, $0xFFFFF086  }
0x1c: {  	p1 =	slt.u32 s9, $0xF7A;
	s5 =	simm.s32 @!p2 $0x0  }
0x1d: {  	s5 =	simm.s32 @p1 $0x1;
	p0 =	seq.s32 s7, s2  }
0x1e: {  	s7 =	smul.u32 @!p0 $0xF7A, s2;
	p2 =	seq.s32 @!p0 s5, $0x0  }
0x1f: {  	s9 =	smul.u32 $0xF7A, s1;
	s8 =	simm.s32 @!p0 $0x1BF5;
	p2 =	por !p2, p0  }
0x20: {  	[sflag:s8] =	ssyncset.s32 @!p0 $0xFFFFF086;
	s6 =	sadd.s32 @!p0 s3, s7;
	s7 =	simm.s32 @!p0 $0x108  }
0x21: {  	s3 =	sadd.s32 s3, s9;
	s6 =	sadd.s32 @!p0 $0x88, s6;
	s7 =	simm.s32 @p2 $0x1082  }
0x22: {  	[simem:s7], [sflag:s8] =	dma.local @!p0 [hbm:s6], $0xF7A  }
0x23: {  	s9 =	sor.u32 $0xD0000000, s2;
	s6 =	simm.s32 $0x108;
	_ =	swait.ge @!p0 [sflag:s8], $0x0  }
0x24: {  	s3 =	sadd.s32 $0x88, s3;
	s6 =	simm.s32 @!p1 $0x1082;
	[sflag:s4] =	ssyncset.s32 $0xFFFFF086  }
0x25: {  	[simem:s6], [sflag:s4] =	dma.local [hbm:s3], $0xF7A  }
0x26: {  	[smem:$0x3F94] =	sst s1;
	(tag) =	ssettag s2;
	_ =	strace s9  }
0x27: {  	s1 =	sld [smem:$0x3FA4]  }
0x28: {  	s2 =	sld [smem:$0x3FA5]  }
0x29: {  	s4 =	sld [smem:$0x3FA7]  }
0x2a: {  	p0 =	seq.s32 s5, $0x0;
	s5 =	sld [smem:$0x3FA8]  }
0x2b: {  	s6 =	sld [smem:$0x3FA9]  }
0x2c: {  	s7 =	sld [smem:$0x3FAA]  }
0x2d: {  	s3 =	simm.s32 $0x108;
	s8 =	sld [smem:$0x3FAB]  }
0x2e: {  	s3 =	simm.s32 @!p0 $0x1082;
	s9 =	sld [smem:$0x3FAC]  }
0x2f: {  	lr =	sadd.s32 s0, s3;
	s0 =	sld [smem:$0x3FA3]  }
0x30: {  	s3 =	sld [smem:$0x3FA6]  }
0x31: {  	[smem:$0x3FAF] =	sst s10  }
0x32: {  	s10 =	sld [smem:$0x3FAD];
	_ =	sdelay $0x3  }
0x33: {  	p0 =	seq.s32 s10, $0x1;
	s10 =	sld [smem:$0x3FAF];
	_ =	sdelay $0x3  }
0x34: {  	[smem:$0x3FAF] =	sst s10  }
0x35: {  	s10 =	sld [smem:$0x3FAE];
	_ =	sdelay $0x3  }
0x36: {  	p1 =	seq.s32 s10, $0x1;
	s10 =	sld [smem:$0x3FAF];
	_ =	sdelay $0x3  }
0x37: {  	[smem:$0x3FAF] =	sst s10  }
0x38: {  	s10 =	sld [smem:$0x3FB0]  }
0x39: {  	_ = 	snop;
	(pc) =	sbr.ind lr, $3  }
0x3a: {  	_ = 	snop  }
0x3b: {  	_ = 	snop  }
0x3c: {  	p2 =	seq.s32 s10, $0x1;
	s10 =	sld [smem:$0x3FAF]  }
0x3d: {  	_ =	shalt  }
0x3e: {  	_ =	shalt  }
0x3f: {  	_ =	shalt  }
0x40: {  	_ =	shalt  }
0x41: {  	_ =	shalt  }
0x42: {  	_ =	shalt  }
0x43: {  	_ =	shalt  }
0x44: {  	_ =	shalt  }
0x45: {  	_ =	shalt  }
0x46: {  	_ =	shalt  }
0x47: {  	_ =	shalt  }
0x48: {  	_ =	shalt  }
0x49: {  	_ =	shalt  }
0x4a: {  	_ =	shalt  }
0x4b: {  	_ =	shalt  }
0x4c: {  	_ =	shalt  }
0x4d: {  	_ =	shalt  }
0x4e: {  	_ =	shalt  }
0x4f: {  	_ =	shalt  }
0x50: {  	_ =	shalt  }
0x51: {  	_ =	shalt  }
0x52: {  	_ =	shalt  }
0x53: {  	_ =	shalt  }
0x54: {  	_ =	shalt  }
0x55: {  	_ =	shalt  }
0x56: {  	_ =	shalt  }
0x57: {  	_ =	shalt  }
0x58: {  	_ =	shalt  }
0x59: {  	_ =	shalt  }
0x5a: {  	_ =	shalt  }
0x5b: {  	_ =	shalt  }
0x5c: {  	_ =	shalt  }
0x5d: {  	_ =	shalt  }
0x5e: {  	_ =	shalt  }
0x5f: {  	_ =	shalt  }
0x60: {  	_ =	shalt  }
0x61: {  	_ =	shalt  }
0x62: {  	_ =	shalt  }
0x63: {  	_ =	shalt  }
0x64: {  	_ =	shalt  }
0x65: {  	_ =	shalt  }
0x66: {  	_ =	shalt  }
0x67: {  	_ =	shalt  }
0x68: {  	_ =	shalt  }
0x69: {  	_ =	shalt  }
0x6a: {  	_ =	shalt  }
0x6b: {  	_ =	shalt  }
0x6c: {  	_ =	shalt  }
0x6d: {  	_ =	shalt  }
0x6e: {  	_ =	shalt  }
0x6f: {  	_ =	shalt  }
0x70: {  	_ =	shalt  }
0x71: {  	_ =	shalt  }
0x72: {  	_ =	shalt  }
0x73: {  	_ =	shalt  }
0x74: {  	_ =	shalt  }
0x75: {  	_ =	shalt  }
0x76: {  	_ =	shalt  }
0x77: {  	_ =	shalt  }
0x78: {  	_ =	shalt  }
0x79: {  	_ =	shalt  }
0x7a: {  	_ =	shalt  }
0x7b: {  	_ =	shalt  }
0x7c: {  	_ =	shalt  }
0x7d: {  	_ =	shalt  }
0x7e: {  	_ =	shalt  }
0x7f: {  	_ =	shalt  }
0x80: {  	_ =	shalt  }
0x81: {  	_ =	shalt  }
0x82: {  	_ =	shalt  }
0x83: {  	_ =	shalt  }
0x84: {  	_ =	shalt  }
0x85: {  	_ =	shalt  }
0x86: {  	_ =	shalt  }
0x87: {  	_ =	shalt  }
.Lfunc_end0:
.L_simem_size_0:
called_computation.1_lowered:
.L_overlay_start_0:
0x88: {  	s2 =	sld [smem:$0x3FD9]  }
0x89: {  	s3 =	sld [smem:$0x3FFE];
	_ =	sdelay $0x1  }
0x8a: {  	s1 =	srdreg.scid  }
0x8b: {  	s0 =	sand.u32 $0x1, s1  }
0x8c: {  	s16 =	sshll.u32 s0, $0xA;
	s2 =	sadd.s32 s3, s2  }
0x8d: {  	s2 =	sadd.s32 s2, s16  }
0x8e: {  	[smem:$0x3FBB] =	sst s2  }
0x8f: {  	_ = 	snop  }
0x90: {  	(tm) =	ssettm $0x1  }
0x91: {  	s17 =	sld [smem:$0x3FFB];
	_ =	sdelay $0x3  }
0x92: {  	_ =	strace s17  }
0x93: {  	s2 =	sld [smem:$0x3FFC];
	_ =	sdelay $0x3  }
0x94: {  	_ =	strace s2  }
0x95: {  	s2 =	sld [smem:$0x3FFD];
	_ =	sdelay $0x3  }
0x96: {  	_ =	strace s2  }
0x97: {  	_ =	strace $0x8FFFFFFF  }
0x98: {  	s18 =	sld [smem:$0x3FDB];
	_ =	sdelay $0x1  }
0x99: {  	s19 =	simm.s32 $_scs_section_size  }
0x9a: {  	s4 =	simm.s32 $_size__tile_overlayer_lowered;
	s5 =	simm.s32 $_tile_overlayer_lowered  }
0x9b: {  	s22 =	simm.s32 $0x1BFF;
	s21 =	sshll.u32 s5, $0x1;
	s2 =	sadd.s32 s19, s18  }
0x9c: {  	s6 =	simm.s32 $0x0;
	s20 =	sshll.u32 s4, $0x1;
	s4 =	sadd.s32 s21, s2  }
0x9d: {  	[timem:s6], [sflag:s22] =	dma.local [hbm:s4], s20  }
0x9e: {  	_ =	swait.ge [sflag:s22], s20  }
0x9f: {  	s3 =	ssub.s32 $0x0, s20;
	[sflag:s22] =	ssyncset.done $0x0  }
0xa0: {  	[sflag:s22] =	ssyncadd.s32 s3;
	_ =	sdelay $0x1  }
0xa1: {  	s23 =	simm.s32 $0x1B8B  }
0xa2: {  	_ =	swait.ge [sflag:s23], $0x1  }
0xa3: {  	[sflag:s23] =	ssyncset.done $0x0  }
0xa4: {  	s25 =	simm.s32 $0x1B8E;
	s24 =	sld [smem:$0x3FFE];
	[sflag:s23] =	ssyncadd.s32 $0xFFFFFFFF  }
0xa5: {  	s26 =	simm.s32 $execute0_lowered;
	[smem:$0x3FD2] =	sst s25  }
0xa6: {  	s4 =	sshll.u32 s26, $0x1;
	_ =	strace $0x80000049;
	[dreg:$0x1] =	wrdreg $0xFFFFFFFF  }
0xa7: {  	s28 =	simm.s32 $_size_execute0_lowered;
	s2 =	sadd.s32 s2, s4;
	[dreg:$0x0] =	wrdreg $0x0  }
0xa8: {  	s4 =	sshll.u32 s28, $0x1;
	[dreg:$0x2] =	wrdreg s2  }
0xa9: {  	[dreg:$0x3] =	wrdreg s4  }
0xaa: {  	[dreg:$0x4] =	wrdreg $0xC0  }
0xab: {  	_ =	task [dreg:s6], $0x5FFFF  }
0xac: {  	[dreg:$0x1] =	wrdreg $0xFFFFFFFF  }
0xad: {  	[dreg:$0x0] =	wrdreg $0x60  }
0xae: {  	[dreg:$0x2] =	wrdreg s24  }
0xaf: {  	[dreg:$0x3] =	wrdreg $0x0  }
0xb0: {  	[dreg:$0x4] =	wrdreg $0x9  }
0xb1: {  	_ =	task.clear_ibuf [dreg:s6], $0x5FFFF;
	_ =	strace $0x90000049  }
0xb2: {  	s29 =	simm.s32 $0x9;
	_ =	strace $0x8000004B  }
0xb3: {  	_ =	swait.ge [sflag:s29], $0x1  }
0xb4: {  	[sflag:s29] =	ssyncadd.s32 $0xFFFFFFFF  }
0xb5: {  	_ =	strace $0x9000004B  }
0xb6: {  	_ =	sfence  }
0xb7: {  	s30 =	sld [smem:$0x0];
	_ =	sdelay $0x2  }
0xb8: {  	s31 =	sshll.u32 s1, $0xD;
	s1 =	sshrl.u32 s1, $0x2  }
0xb9: {  	s3 =	sand.u32 $0x4000, s31;
	s1 =	sadd.s32 s1, s30  }
0xba: {  	s0 =	sor.u32 s3, s0;
	s1 =	sshll.u32 s1, $0x11  }
0xbb: {  	s0 =	sor.u32 s1, s0  }
0xbc: {  	s0 =	sadd.s32 $0x8F2B, s0  }
0xbd: {  	[sflag:s0] =	ssyncadd.remote.s32 $0x1  }
0xbe: {  	_ =	sfence.sel $0xFFFF  }
0xbf: {  	[dreg:$0x0] =	wrdreg $0xFFFFFFFF;
	(pc) =	sbr.abs _section_cstart, $3  }
0xc0: {  	[dreg:$0x1] =	wrdreg $0xFFFFFFFF  }
0xc1: {  	_ =	task.clear_ibuf [dreg:s6], $0x2FFFF;
	_ =	strace $0x9FFFFFFF  }
0xc2: {  	(tm) =	ssettm $0x7FFFFFFF  }
0xc3: {  	_ =	shalt  }
tec
execute0_lowered:
.L_overlay_start_1:
0x0: {  	(tag) =	ssettag $0x1  }
0x1: {  	s8 =	stileid.u32  }
0x2: {  	s0 =	srdreg.scid;
	s5 =	smul.u32 $0x138800, s8  }
0x3: {  	s1 =	rddreg [dreg:$0x0];
	s24 =	smul.u32 $0x14000, s8  }
0x4: {  	s2 =	rddreg [dreg:$0x1];
	s3 =	simm.s32 $0x0;
	s7 =	smul.u32 $0x4E2, s8  }
0x5: {  	s28 =	simm.s32 $0x15400;
	s0 =	sand.u32 $0x1, s0;
	s26 =	smul.u32 $0x50000, s8  }
0x6: {  	s29 =	simm.s32 $0x28;
	s30 =	simm.s32 $0x0;
	s4 =	smul.u32 $0x1388000, s0  }
0x7: {  	[smem:$0x7FF] =	sst s3;
	s6 =	smul.u32 $0x140000, s0;
	s0 =	ssub.s32 $0x2, s0  }
0x8: {  	_ =	strace $0x8000004A;
	s23 =	sadd.s32 s7, s1;
	s31 =	sshrl.u32 s0, $0x1  }
0x9: {  	s4 =	sadd.s32 s5, s4;
	s25 =	sadd.s32 s24, s6;
	s5 =	sshrl.u32 s26, $0x2  }
0xa: {  	s0 =	ssub.s32 s0, s31;
	s23 =	sadd.s32 $0x4C00, s23;
	s24 =	simm.s32 $0x14000  }
0xb: {  	s26 =	simm.s32 $0x16800;
	s4 =	sshrl.u32 s4, $0x3;
	s5 =	sadd.s32 s5, s2  }
0xc: {  	s0 =	smax.u32 s0, $0x1;
	s22 =	sadd.s32 s4, s1;
	s4 =	sshrl.u32 s25, $0x3  }
0xd: {  	[dreg:$0x4] =	wrdreg s0;
	s7 =	sadd.s32 $0x1400, s5;
	s8 =	sadd.s32 $0x2800, s5  }
0xe: {  	s9 =	sadd.s32 $0x3C00, s5;
	s10 =	sadd.s32 $0x5000, s5;
	s11 =	sadd.s32 $0x6400, s5  }
0xf: {  	s12 =	sadd.s32 $0x7800, s5;
	s13 =	sadd.s32 $0x8C00, s5;
	s14 =	sadd.s32 $0xA000, s5  }
0x10: {  	s15 =	sadd.s32 $0xB400, s5;
	s16 =	sadd.s32 $0xC800, s5;
	s17 =	sadd.s32 $0xDC00, s5  }
0x11: {  	s18 =	sadd.s32 $0xF000, s5;
	s19 =	sadd.s32 $0x10400, s5;
	s1 =	sadd.s32 s4, s1  }
0x12: {  	s20 =	sadd.s32 $0x11800, s5;
	s21 =	sadd.s32 $0x12C00, s5;
	s1 =	sadd.s32 $0x9C00, s1  }
0x13: {  	v0 =	vimm.f32 $0.0e+00;
	s25 =	simm.s32 $0x1;
	s22 =	sadd.s32 $0x116F000, s22;
	[dreg:$0x3] =	wrdreg s1  }
.LBB2_1:
0x14: {  	s1 =	simm.s32 $0x0;
	s31 =	simm.s32 $0x200  }
.LBB2_2:
0x15: {  	p0 =	sne.s32 s31, $0x4E00;
	[tilespmem:s1+$0x14070] =	vst v0  }
0x16: {  	[tilespmem:s1+$0x14000] =	vst v0  }
0x17: {  	[tilespmem:s1+$0x14010] =	vst v0  }
.Ltmp0:
0x18: {  	[tilespmem:s1+$0x14020] =	vst v0;
	(pc) =	sbr.rel @p0 .LBB2_2-.Ltmp0, $4  }
0x19: {  	[tilespmem:s1+$0x14030] =	vst v0  }
0x1a: {  	[tilespmem:s1+$0x14040] =	vst v0  }
0x1b: {  	[tilespmem:s1+$0x14050] =	vst v0  }
0x1c: {  	[tilespmem:s1+$0x14060] =	vst v0;
	s1 =	sshra.s32 s31, $0x2;
	s31 =	sadd.s32 $0x200, s31  }
0x1d: {  	[tilespmem:s1+$0x14070] =	vst v0  }
0x1e: {  	[tilespmem:s1+$0x14000] =	vst v0  }
0x1f: {  	[tilespmem:s1+$0x14010] =	vst v0  }
0x20: {  	[tilespmem:s1+$0x14020] =	vst v0  }
0x21: {  	[tilespmem:s1+$0x14030] =	vst v0  }
0x22: {  	[tilespmem:s1+$0x14040] =	vst v0  }
0x23: {  	[tilespmem:s1+$0x14050] =	vst v0  }
0x24: {  	[tilespmem:s1+$0x14060] =	vst v0  }
0x25: {  	[spmem:s5] =	stream.linear.scatter [tilespmem:s24], [sflag:$0x1], $0x1400, $0x38;
	[tilespmem:$0x16880] =	vst v63  }
0x26: {  	_ =	swait.ge [sflag:s25], $0x1400  }
0x27: {  	[sflag:s25] =	ssyncset.done $0x0  }
0x28: {  	[sflag:s25] =	ssyncadd.s32 $0xFFFFEC00  }
0x29: {  	[spmem:s7] =	stream.linear.scatter [tilespmem:s24], [sflag:$0x1], $0x1400, $0x38;
	[tilespmem:$0x16880] =	vst v63  }
0x2a: {  	_ =	swait.ge [sflag:s25], $0x1400  }
0x2b: {  	[sflag:s25] =	ssyncset.done $0x0  }
0x2c: {  	[sflag:s25] =	ssyncadd.s32 $0xFFFFEC00  }
0x2d: {  	[spmem:s8] =	stream.linear.scatter [tilespmem:s24], [sflag:$0x1], $0x1400, $0x38;
	[tilespmem:$0x16880] =	vst v63  }
0x2e: {  	_ =	swait.ge [sflag:s25], $0x1400  }
0x2f: {  	[sflag:s25] =	ssyncset.done $0x0  }
0x30: {  	[sflag:s25] =	ssyncadd.s32 $0xFFFFEC00  }
0x31: {  	[spmem:s9] =	stream.linear.scatter [tilespmem:s24], [sflag:$0x1], $0x1400, $0x38;
	[tilespmem:$0x16880] =	vst v63  }
0x32: {  	_ =	swait.ge [sflag:s25], $0x1400  }
0x33: {  	[sflag:s25] =	ssyncset.done $0x0  }
0x34: {  	[sflag:s25] =	ssyncadd.s32 $0xFFFFEC00  }
0x35: {  	[spmem:s10] =	stream.linear.scatter [tilespmem:s24], [sflag:$0x1], $0x1400, $0x38;
	[tilespmem:$0x16880] =	vst v63  }
0x36: {  	_ =	swait.ge [sflag:s25], $0x1400  }
0x37: {  	[sflag:s25] =	ssyncset.done $0x0  }
0x38: {  	[sflag:s25] =	ssyncadd.s32 $0xFFFFEC00  }
0x39: {  	[spmem:s11] =	stream.linear.scatter [tilespmem:s24], [sflag:$0x1], $0x1400, $0x38;
	[tilespmem:$0x16880] =	vst v63  }
0x3a: {  	_ =	swait.ge [sflag:s25], $0x1400  }
0x3b: {  	[sflag:s25] =	ssyncset.done $0x0  }
0x3c: {  	[sflag:s25] =	ssyncadd.s32 $0xFFFFEC00  }
0x3d: {  	[spmem:s12] =	stream.linear.scatter [tilespmem:s24], [sflag:$0x1], $0x1400, $0x38;
	[tilespmem:$0x16880] =	vst v63  }
0x3e: {  	_ =	swait.ge [sflag:s25], $0x1400  }
0x3f: {  	[sflag:s25] =	ssyncset.done $0x0  }
0x40: {  	[sflag:s25] =	ssyncadd.s32 $0xFFFFEC00  }
0x41: {  	[spmem:s13] =	stream.linear.scatter [tilespmem:s24], [sflag:$0x1], $0x1400, $0x38;
	[tilespmem:$0x16880] =	vst v63  }
0x42: {  	_ =	swait.ge [sflag:s25], $0x1400  }
0x43: {  	[sflag:s25] =	ssyncset.done $0x0  }
0x44: {  	[sflag:s25] =	ssyncadd.s32 $0xFFFFEC00  }
0x45: {  	[spmem:s14] =	stream.linear.scatter [tilespmem:s24], [sflag:$0x1], $0x1400, $0x38;
	[tilespmem:$0x16880] =	vst v63  }
0x46: {  	_ =	swait.ge [sflag:s25], $0x1400  }
0x47: {  	[sflag:s25] =	ssyncset.done $0x0  }
0x48: {  	[sflag:s25] =	ssyncadd.s32 $0xFFFFEC00  }
0x49: {  	[spmem:s15] =	stream.linear.scatter [tilespmem:s24], [sflag:$0x1], $0x1400, $0x38;
	[tilespmem:$0x16880] =	vst v63  }
0x4a: {  	_ =	swait.ge [sflag:s25], $0x1400  }
0x4b: {  	[sflag:s25] =	ssyncset.done $0x0  }
0x4c: {  	[sflag:s25] =	ssyncadd.s32 $0xFFFFEC00  }
0x4d: {  	[spmem:s16] =	stream.linear.scatter [tilespmem:s24], [sflag:$0x1], $0x1400, $0x38;
	[tilespmem:$0x16880] =	vst v63  }
0x4e: {  	_ =	swait.ge [sflag:s25], $0x1400  }
0x4f: {  	[sflag:s25] =	ssyncset.done $0x0  }
0x50: {  	[sflag:s25] =	ssyncadd.s32 $0xFFFFEC00  }
0x51: {  	[spmem:s17] =	stream.linear.scatter [tilespmem:s24], [sflag:$0x1], $0x1400, $0x38;
	[tilespmem:$0x16880] =	vst v63  }
0x52: {  	_ =	swait.ge [sflag:s25], $0x1400  }
0x53: {  	[sflag:s25] =	ssyncset.done $0x0  }
0x54: {  	[sflag:s25] =	ssyncadd.s32 $0xFFFFEC00  }
0x55: {  	[spmem:s18] =	stream.linear.scatter [tilespmem:s24], [sflag:$0x1], $0x1400, $0x38;
	[tilespmem:$0x16880] =	vst v63  }
0x56: {  	_ =	swait.ge [sflag:s25], $0x1400  }
0x57: {  	[sflag:s25] =	ssyncset.done $0x0  }
0x58: {  	[sflag:s25] =	ssyncadd.s32 $0xFFFFEC00  }
0x59: {  	[spmem:s19] =	stream.linear.scatter [tilespmem:s24], [sflag:$0x1], $0x1400, $0x38;
	[tilespmem:$0x16880] =	vst v63  }
0x5a: {  	_ =	swait.ge [sflag:s25], $0x1400  }
0x5b: {  	[sflag:s25] =	ssyncset.done $0x0  }
0x5c: {  	[sflag:s25] =	ssyncadd.s32 $0xFFFFEC00  }
0x5d: {  	[spmem:s20] =	stream.linear.scatter [tilespmem:s24], [sflag:$0x1], $0x1400, $0x38;
	[tilespmem:$0x16880] =	vst v63  }
0x5e: {  	_ =	swait.ge [sflag:s25], $0x1400  }
0x5f: {  	[sflag:s25] =	ssyncset.done $0x0  }
0x60: {  	[sflag:s25] =	ssyncadd.s32 $0xFFFFEC00  }
0x61: {  	[spmem:s21] =	stream.linear.scatter [tilespmem:s24], [sflag:$0x1], $0x1400, $0x38;
	[tilespmem:$0x16880] =	vst v63  }
0x62: {  	_ =	swait.ge [sflag:s25], $0x1400  }
0x63: {  	[sflag:s25] =	ssyncset.done $0x0  }
0x64: {  	[sflag:s25] =	ssyncadd.s32 $0xFFFFEC00  }
0x65: {  	s0 =	sadd.s32 $0x0, s23;
	[bflag:$0x0] =	sbarrier.arrive $0xFFFF  }
0x66: {  	[tilespmem:s26], [sflag:$0x1] =	stream.linear.gather [hbm4b:s0+s3], $0x28, $0x38;
	[tilespmem:$0x16880] =	vst v63  }
0x67: {  	_ =	swait.ge [sflag:s25], $0x28  }
0x68: {  	[sflag:s25] =	ssyncset.done $0x0  }
0x69: {  	[sflag:s25] =	ssyncadd.s32 $0xFFFFFFD8  }
0x6a: {  	[tilespmem:s28], [sflag:$0x1] =	stream.linear.gather [hbm4b:s22+s3], $0x1400, $0x38;
	[tilespmem:$0x16880] =	vst v63  }
0x6b: {  	_ =	swait.ge [sflag:s25], $0x1400  }
0x6c: {  	[sflag:s25] =	ssyncset.done $0x0  }
0x6d: {  	[sflag:s25] =	ssyncadd.s32 $0xFFFFEC00  }
0x6e: {  	[spmem:s2] =	stream.indirect.scatter.add.f32 [tilespmem:s28], [sflag:$0x1], $0x80, s26, s29, $0xb8;
	[tilespmem:$0x16880] =	vst v63  }
0x6f: {  	s1 =	simm.s32 $0x5;
	_ =	swait.ge [sflag:s25], $0x1400  }
0x70: {  	s31 =	sadd.s32 $0x280, s22;
	s0 =	simm.s32 $0xA;
	[sflag:s25] =	ssyncset.done $0x0  }
.LBB2_4:
0x71: {  	s4 =	sadd.s32 s1, s23  }
0x72: {  	[sflag:s25] =	ssyncadd.s32 $0xFFFFEC00;
	s1 =	smov.u32 s0;
	s6 =	sadd.s32 $0x5, s0  }
0x73: {  	[tilespmem:s26], [sflag:$0x1] =	stream.linear.gather [hbm4b:s4+s3], $0x28, $0x38;
	[tilespmem:$0x16880] =	vst v63  }
0x74: {  	p0 =	sne.s32 s0, $0x4DD;
	_ =	swait.ge [sflag:s25], $0x28  }
0x75: {  	[sflag:s25] =	ssyncset.done $0x0  }
0x76: {  	[sflag:s25] =	ssyncadd.s32 $0xFFFFFFD8  }
0x77: {  	[tilespmem:s28], [sflag:$0x1] =	stream.linear.gather [hbm4b:s31+s3], $0x1400, $0x38;
	[tilespmem:$0x16880] =	vst v63  }
0x78: {  	_ =	swait.ge [sflag:s25], $0x1400  }
.Ltmp1:
0x79: {  	[sflag:s25] =	ssyncset.done $0x0;
	(pc) =	sbr.rel @p0 .LBB2_4-.Ltmp1, $4  }
0x7a: {  	[sflag:s25] =	ssyncadd.s32 $0xFFFFEC00  }
0x7b: {  	[spmem:s2] =	stream.indirect.scatter.add.f32 [tilespmem:s28], [sflag:$0x1], $0x80, s26, s29, $0xb8;
	[tilespmem:$0x16880] =	vst v63  }
0x7c: {  	_ =	swait.ge [sflag:s25], $0x1400  }
0x7d: {  	s0 =	smov.u32 s6;
	s31 =	sadd.s32 $0x280, s31;
	[sflag:s25] =	ssyncset.done $0x0  }
0x7e: {  	s0 =	sadd.s32 s1, s23;
	[sflag:s25] =	ssyncadd.s32 $0xFFFFEC00  }
0x7f: {  	[tilespmem:s26], [sflag:$0x1] =	stream.linear.gather [hbm4b:s0+s3], $0x28, $0x38;
	[tilespmem:$0x16880] =	vst v63  }
0x80: {  	_ =	swait.ge [sflag:s25], $0x28  }
0x81: {  	[sflag:s25] =	ssyncset.done $0x0  }
0x82: {  	[sflag:s25] =	ssyncadd.s32 $0xFFFFFFD8  }
0x83: {  	[tilespmem:s28], [sflag:$0x1] =	stream.linear.gather [hbm4b:s31+s3], $0x1400, $0x38;
	[tilespmem:$0x16880] =	vst v63  }
0x84: {  	_ =	swait.ge [sflag:s25], $0x1400  }
0x85: {  	[sflag:s25] =	ssyncset.done $0x0  }
0x86: {  	[sflag:s25] =	ssyncadd.s32 $0xFFFFEC00  }
0x87: {  	[spmem:s2] =	stream.indirect.scatter.add.f32 [tilespmem:s28], [sflag:$0x1], $0x80, s26, s29, $0xb8;
	[tilespmem:$0x16880] =	vst v63  }
0x88: {  	_ =	swait.ge [sflag:s25], $0x1400  }
0x89: {  	[sflag:s25] =	ssyncset.done $0x0  }
0x8a: {  	s4 =	stileid.u32;
	[sflag:s25] =	ssyncadd.s32 $0xFFFFEC00  }
0x8b: {  	s0 =	sshll.u32 s4, $0x6;
	[bflag:$0x0] =	sbarrier.arrive $0xFFFF  }
0x8c: {  	s6 =	sshrl.u32 s5, $0x3;
	s0 =	sor.u32 $0x1C01, s0;
	s4 =	rddreg [dreg:$0x3]  }
0x8d: {  	[hbm:s4], [sflag:s0] =	dma.local [spmem:s6], $0x2800  }
0x8e: {  	_ =	swait.ge [sflag:s25], $0x2800  }
0x8f: {  	s30 =	sadd.s32 $0x1, s30;
	s31 =	rddreg [dreg:$0x4]  }
0x90: {  	p0 =	sne.s32 s30, s31  }
.Ltmp2:
0x91: {  	_ = 	snop;
	(pc) =	sbr.rel @p0 .LBB2_1-.Ltmp2, $3  }
0x92: {  	_ =	sdelay $0x1  }
0x93: {  	[sflag:s25] =	ssyncset.done $0x0  }
0x94: {  	[sflag:s25] =	ssyncadd.s32 $0xFFFFD800  }
0x95: {  	_ =	sfence.sel $0x180000  }
0x96: {  	[bflag:$0x0] =	sbarrier.arrive $0xFFFF  }
0x97: {  	_ =	strace $0x9000004A  }
0x98: {  	s0 =	stileid.u32;
	[bflag:$0x2] =	sbarrier.arrive $0xFFFF  }
0x99: {  	p0 =	sne.s32 s0, $0x0;
	s0 =	rddreg [dreg:$0x2]  }
0x9a: {  	s0 =	sadd.s32 @!p0 $0x100000, s0  }
0x9b: {  	[sflag:s0] =	ssyncadd.tile.s32 @!p0 $0x1;
	_ =	shalt  }
.Lfunc_end2:
_tile_overlayer_lowered:
.L_overlay_start_2:
0x9c: {  	(tag) =	ssettag $0x2  }
0x9d: {  	s0 =	rddreg [dreg:$0x0];
	s2 =	stileid.u32  }
0x9e: {  	s1 =	rddreg [dreg:$0x1];
	p0 =	sne.s32 s2, $0x0  }
0x9f: {  	s3 =	rddreg [dreg:$0x2];
	[bflag:$0x3] =	sbarrier.arrive $0xFFFF;
	s2 =	simm.s32 @!p0 $0x1C01  }
0xa0: {  	[timem:s3], [sflag:s2] =	dma.local @!p0 [hbm:s0], s1  }
0xa1: {  	s0 =	simm.s32 @!p0 $0x1  }
0xa2: {  	_ =	swait.ge @!p0 [sflag:s0], s1  }
0xa3: {  	s1 =	ssub.s32 @!p0 $0x0, s1;
	[sflag:s0] =	ssyncset.done @!p0 $0x0  }
0xa4: {  	[sflag:s0] =	ssyncadd.s32 @!p0 s1  }
0xa5: {  	[bflag:$0x3] =	sbarrier.arrive $0xFFFF  }
0xa6: {  	_ =	shalt  }

// kernel: _run.7.cloned.1.call-start
scs
__scs_entry_jumppad:
0x0: {  	(pc) =	sbr.rel $0x88, $3  }
0x1: {  	(tag) =	ssettag $0x0;
	lr =	simm.s32 $0x1  }
0x2: {  	[smem:$0x3F94] =	sst lr;
	_ =	strace $0xD0000000  }
0x3: {  	_ = 	snop  }
0x4: {  	_ = 	snop  }
0x5: {  	_ = 	snop  }
0x6: {  	_ = 	snop  }
0x7: {  	_ = 	snop  }
__scs_overlays_trampoline_lowered:
0x8: {  	[smem:$0x3FA3] =	sst s0  }
0x9: {  	[smem:$0x3FA4] =	sst s1  }
0xa: {  	[smem:$0x3FA5] =	sst s2  }
0xb: {  	[smem:$0x3FA6] =	sst s3  }
0xc: {  	[smem:$0x3FA7] =	sst s4  }
0xd: {  	[smem:$0x3FA8] =	sst s5  }
0xe: {  	[smem:$0x3FA9] =	sst s6  }
0xf: {  	[smem:$0x3FAA] =	sst s7  }
0x10: {  	[smem:$0x3FAB] =	sst s8  }
0x11: {  	[smem:$0x3FAC] =	sst s9;
	s0 =	simm.s32 @!p0 $0x0  }
0x12: {  	s1 =	sld [smem:$0x3F92];
	s0 =	simm.s32 @p0 $0x1  }
0x13: {  	[smem:$0x3FAD] =	sst s0;
	s0 =	simm.s32 @!p1 $0x0  }
0x14: {  	s2 =	sld [smem:$0x3F91];
	s0 =	simm.s32 @p1 $0x1  }
0x15: {  	[smem:$0x3FAE] =	sst s0;
	s0 =	simm.s32 @!p2 $0x0  }
0x16: {  	s3 =	sld [smem:$0x3FDB];
	s0 =	simm.s32 @p2 $0x1  }
0x17: {  	s4 =	simm.s32 $0x1BF5;
	[smem:$0x3FB0] =	sst s0  }
0x18: {  	s0 =	sld [smem:$0x3F93];
	_ =	swait.ge [sflag:s4], $0x0  }
0x19: {  	s7 =	sld [smem:$0x3F94]  }
0x1a: {  	s8 =	sadd.s32 $0xFFFFE003, lr  }
0x1b: {  	s9 =	sadd.s32 $0xFFFFFEF7, lr;
	s5 =	simm.s32 $0xFFFFFFFF;
	p2 =	slt.u32 s8, $0xFFFFF086  }
0x1c: {  	p1 =	slt.u32 s9, $0xF7A;
	s5 =	simm.s32 @!p2 $0x0  }
0x1d: {  	s5 =	simm.s32 @p1 $0x1;
	p0 =	seq.s32 s7, s2  }
0x1e: {  	s7 =	smul.u32 @!p0 $0xF7A, s2;
	p2 =	seq.s32 @!p0 s5, $0x0  }
0x1f: {  	s9 =	smul.u32 $0xF7A, s1;
	s8 =	simm.s32 @!p0 $0x1BF5;
	p2 =	por !p2, p0  }
0x20: {  	[sflag:s8] =	ssyncset.s32 @!p0 $0xFFFFF086;
	s6 =	sadd.s32 @!p0 s3, s7;
	s7 =	simm.s32 @!p0 $0x108  }
0x21: {  	s3 =	sadd.s32 s3, s9;
	s6 =	sadd.s32 @!p0 $0x88, s6;
	s7 =	simm.s32 @p2 $0x1082  }
0x22: {  	[simem:s7], [sflag:s8] =	dma.local @!p0 [hbm:s6], $0xF7A  }
0x23: {  	s9 =	sor.u32 $0xD0000000, s2;
	s6 =	simm.s32 $0x108;
	_ =	swait.ge @!p0 [sflag:s8], $0x0  }
0x24: {  	s3 =	sadd.s32 $0x88, s3;
	s6 =	simm.s32 @!p1 $0x1082;
	[sflag:s4] =	ssyncset.s32 $0xFFFFF086  }
0x25: {  	[simem:s6], [sflag:s4] =	dma.local [hbm:s3], $0xF7A  }
0x26: {  	[smem:$0x3F94] =	sst s1;
	(tag) =	ssettag s2;
	_ =	strace s9  }
0x27: {  	s1 =	sld [smem:$0x3FA4]  }
0x28: {  	s2 =	sld [smem:$0x3FA5]  }
0x29: {  	s4 =	sld [smem:$0x3FA7]  }
0x2a: {  	p0 =	seq.s32 s5, $0x0;
	s5 =	sld [smem:$0x3FA8]  }
0x2b: {  	s6 =	sld [smem:$0x3FA9]  }
0x2c: {  	s7 =	sld [smem:$0x3FAA]  }
0x2d: {  	s3 =	simm.s32 $0x108;
	s8 =	sld [smem:$0x3FAB]  }
0x2e: {  	s3 =	simm.s32 @!p0 $0x1082;
	s9 =	sld [smem:$0x3FAC]  }
0x2f: {  	lr =	sadd.s32 s0, s3;
	s0 =	sld [smem:$0x3FA3]  }
0x30: {  	s3 =	sld [smem:$0x3FA6]  }
0x31: {  	[smem:$0x3FAF] =	sst s10  }
0x32: {  	s10 =	sld [smem:$0x3FAD];
	_ =	sdelay $0x3  }
0x33: {  	p0 =	seq.s32 s10, $0x1;
	s10 =	sld [smem:$0x3FAF];
	_ =	sdelay $0x3  }
0x34: {  	[smem:$0x3FAF] =	sst s10  }
0x35: {  	s10 =	sld [smem:$0x3FAE];
	_ =	sdelay $0x3  }
0x36: {  	p1 =	seq.s32 s10, $0x1;
	s10 =	sld [smem:$0x3FAF];
	_ =	sdelay $0x3  }
0x37: {  	[smem:$0x3FAF] =	sst s10  }
0x38: {  	s10 =	sld [smem:$0x3FB0]  }
0x39: {  	_ = 	snop;
	(pc) =	sbr.ind lr, $3  }
0x3a: {  	_ = 	snop  }
0x3b: {  	_ = 	snop  }
0x3c: {  	p2 =	seq.s32 s10, $0x1;
	s10 =	sld [smem:$0x3FAF]  }
0x3d: {  	_ =	shalt  }
0x3e: {  	_ =	shalt  }
0x3f: {  	_ =	shalt  }
0x40: {  	_ =	shalt  }
0x41: {  	_ =	shalt  }
0x42: {  	_ =	shalt  }
0x43: {  	_ =	shalt  }
0x44: {  	_ =	shalt  }
0x45: {  	_ =	shalt  }
0x46: {  	_ =	shalt  }
0x47: {  	_ =	shalt  }
0x48: {  	_ =	shalt  }
0x49: {  	_ =	shalt  }
0x4a: {  	_ =	shalt  }
0x4b: {  	_ =	shalt  }
0x4c: {  	_ =	shalt  }
0x4d: {  	_ =	shalt  }
0x4e: {  	_ =	shalt  }
0x4f: {  	_ =	shalt  }
0x50: {  	_ =	shalt  }
0x51: {  	_ =	shalt  }
0x52: {  	_ =	shalt  }
0x53: {  	_ =	shalt  }
0x54: {  	_ =	shalt  }
0x55: {  	_ =	shalt  }
0x56: {  	_ =	shalt  }
0x57: {  	_ =	shalt  }
0x58: {  	_ =	shalt  }
0x59: {  	_ =	shalt  }
0x5a: {  	_ =	shalt  }
0x5b: {  	_ =	shalt  }
0x5c: {  	_ =	shalt  }
0x5d: {  	_ =	shalt  }
0x5e: {  	_ =	shalt  }
0x5f: {  	_ =	shalt  }
0x60: {  	_ =	shalt  }
0x61: {  	_ =	shalt  }
0x62: {  	_ =	shalt  }
0x63: {  	_ =	shalt  }
0x64: {  	_ =	shalt  }
0x65: {  	_ =	shalt  }
0x66: {  	_ =	shalt  }
0x67: {  	_ =	shalt  }
0x68: {  	_ =	shalt  }
0x69: {  	_ =	shalt  }
0x6a: {  	_ =	shalt  }
0x6b: {  	_ =	shalt  }
0x6c: {  	_ =	shalt  }
0x6d: {  	_ =	shalt  }
0x6e: {  	_ =	shalt  }
0x6f: {  	_ =	shalt  }
0x70: {  	_ =	shalt  }
0x71: {  	_ =	shalt  }
0x72: {  	_ =	shalt  }
0x73: {  	_ =	shalt  }
0x74: {  	_ =	shalt  }
0x75: {  	_ =	shalt  }
0x76: {  	_ =	shalt  }
0x77: {  	_ =	shalt  }
0x78: {  	_ =	shalt  }
0x79: {  	_ =	shalt  }
0x7a: {  	_ =	shalt  }
0x7b: {  	_ =	shalt  }
0x7c: {  	_ =	shalt  }
0x7d: {  	_ =	shalt  }
0x7e: {  	_ =	shalt  }
0x7f: {  	_ =	shalt  }
0x80: {  	_ =	shalt  }
0x81: {  	_ =	shalt  }
0x82: {  	_ =	shalt  }
0x83: {  	_ =	shalt  }
0x84: {  	_ =	shalt  }
0x85: {  	_ =	shalt  }
0x86: {  	_ =	shalt  }
0x87: {  	_ =	shalt  }
.Lfunc_end0:
.L_simem_size_0:
called_computation_lowered:
.L_overlay_start_0:
0x88: {  	s2 =	sld [smem:$0x3FD9]  }
0x89: {  	s3 =	sld [smem:$0x3FFE];
	_ =	sdelay $0x1  }
0x8a: {  	s1 =	srdreg.scid  }
0x8b: {  	s0 =	sand.u32 $0x1, s1  }
0x8c: {  	s14 =	sshll.u32 s0, $0xA;
	s2 =	sadd.s32 s3, s2  }
0x8d: {  	s2 =	sadd.s32 s2, s14  }
0x8e: {  	[smem:$0x3FBB] =	sst s2  }
0x8f: {  	_ = 	snop  }
0x90: {  	s2 =	sld [smem:$0x3FD0];
	_ =	sdelay $0x2  }
0x91: {  	s15 =	simm.s32 $0xA;
	s4 =	simm.s32 $0x10  }
0x92: {  	[smem:s4], [sflag:s15] =	dma.local [hbm:s2], $0x1  }
0x93: {  	_ =	swait.eq [sflag:s15], $0x1  }
0x94: {  	[sflag:s15] =	ssyncset.done $0x0  }
0x95: {  	s16 =	sld [smem:$0x10];
	[sflag:s15] =	ssyncadd.s32 $0xFFFFFFFF  }
0x96: {  	s17 =	sld [smem:$0x11];
	(tm) =	ssettm $0x1  }
0x97: {  	s18 =	sld [smem:$0x3FFB];
	_ =	sdelay $0x3  }
0x98: {  	_ =	strace s18  }
0x99: {  	s4 =	sld [smem:$0x3FFC];
	_ =	sdelay $0x3  }
0x9a: {  	_ =	strace s4  }
0x9b: {  	s4 =	sld [smem:$0x3FFD];
	_ =	sdelay $0x3  }
0x9c: {  	_ =	strace s4  }
0x9d: {  	_ =	strace $0x8FFFFFFF  }
0x9e: {  	s19 =	sld [smem:$0x3FDB];
	_ =	sdelay $0x1  }
0x9f: {  	s5 =	simm.s32 $_scs_section_size  }
0xa0: {  	s6 =	simm.s32 $_size__tile_overlayer_lowered;
	s7 =	simm.s32 $_tile_overlayer_lowered  }
0xa1: {  	s22 =	simm.s32 $0x1BFF;
	s21 =	sshll.u32 s7, $0x1;
	s4 =	sadd.s32 s5, s19  }
0xa2: {  	s8 =	simm.s32 $0x0;
	s20 =	sshll.u32 s6, $0x1;
	s6 =	sadd.s32 s21, s4  }
0xa3: {  	[timem:s8], [sflag:s22] =	dma.local [hbm:s6], s20  }
0xa4: {  	_ =	swait.ge [sflag:s22], s20  }
0xa5: {  	s5 =	ssub.s32 $0x0, s20;
	[sflag:s22] =	ssyncset.done $0x0  }
0xa6: {  	[sflag:s22] =	ssyncadd.s32 s5;
	_ =	sdelay $0x1  }
0xa7: {  	s23 =	simm.s32 $0x1B8B  }
0xa8: {  	_ =	swait.ge [sflag:s23], $0x1  }
0xa9: {  	[sflag:s23] =	ssyncset.done $0x0  }
0xaa: {  	s25 =	simm.s32 $0x1B8E;
	s24 =	sld [smem:$0x3FFE];
	[sflag:s23] =	ssyncadd.s32 $0xFFFFFFFF  }
0xab: {  	s26 =	simm.s32 $execute0_lowered;
	[smem:$0x3FD2] =	sst s25  }
0xac: {  	s6 =	sshll.u32 s26, $0x1;
	_ =	strace $0x80000046;
	[dreg:$0x1] =	wrdreg $0xFFFFFFFF  }
0xad: {  	s28 =	simm.s32 $_size_execute0_lowered;
	s4 =	sadd.s32 s4, s6;
	[dreg:$0x0] =	wrdreg $0x0  }
0xae: {  	s6 =	sshll.u32 s28, $0x1;
	[dreg:$0x2] =	wrdreg s4  }
0xaf: {  	[dreg:$0x3] =	wrdreg s6  }
0xb0: {  	[dreg:$0x4] =	wrdreg $0xC0  }
0xb1: {  	_ =	task [dreg:s8], $0x5FFFF  }
0xb2: {  	[dreg:$0x1] =	wrdreg $0xFFFFFFFF  }
0xb3: {  	[dreg:$0x0] =	wrdreg $0x60  }
0xb4: {  	[dreg:$0x2] =	wrdreg s24  }
0xb5: {  	[dreg:$0x3] =	wrdreg s17  }
0xb6: {  	[dreg:$0x4] =	wrdreg s16  }
0xb7: {  	[dreg:$0x5] =	wrdreg $0x9  }
0xb8: {  	_ =	task.clear_ibuf [dreg:s8], $0x6FFFF;
	_ =	strace $0x90000046  }
0xb9: {  	s29 =	simm.s32 $0x9;
	_ =	strace $0x80000048  }
0xba: {  	_ =	swait.ge [sflag:s29], $0x1  }
0xbb: {  	[sflag:s29] =	ssyncadd.s32 $0xFFFFFFFF  }
0xbc: {  	_ =	strace $0x90000048  }
0xbd: {  	_ =	sfence  }
0xbe: {  	s30 =	sld [smem:$0x0];
	_ =	sdelay $0x2  }
0xbf: {  	s31 =	sshll.u32 s1, $0xD;
	s1 =	sshrl.u32 s1, $0x2  }
0xc0: {  	s3 =	sand.u32 $0x4000, s31;
	s1 =	sadd.s32 s1, s30  }
0xc1: {  	s0 =	sor.u32 s3, s0;
	s1 =	sshll.u32 s1, $0x11  }
0xc2: {  	s0 =	sor.u32 s1, s0  }
0xc3: {  	s0 =	sadd.s32 $0x8F2B, s0  }
0xc4: {  	[sflag:s0] =	ssyncadd.remote.s32 $0x1  }
0xc5: {  	_ =	sfence.sel $0xFFFF  }
0xc6: {  	[dreg:$0x0] =	wrdreg $0xFFFFFFFF;
	(pc) =	sbr.abs _section_cstart, $3  }
0xc7: {  	[dreg:$0x1] =	wrdreg $0xFFFFFFFF  }
0xc8: {  	_ =	task.clear_ibuf [dreg:s8], $0x2FFFF;
	_ =	strace $0x9FFFFFFF  }
0xc9: {  	(tm) =	ssettm $0x7FFFFFFF  }
tec
execute0_lowered:
.L_overlay_start_1:
0x0: {  	(tag) =	ssettag $0x1  }
0x1: {  	s5 =	rddreg [dreg:$0x0]  }
0x2: {  	s11 =	rddreg [dreg:$0x1]  }
0x3: {  	s1 =	srdreg.scid;
	s0 =	stileid.u32  }
0x4: {  	s2 =	rddreg [dreg:$0x2];
	s3 =	simm.s32 $0x0;
	s14 =	simm.s32 $0x80  }
0x5: {  	s15 =	simm.s32 $0x28;
	s16 =	simm.s32 $0x100;
	s17 =	simm.s32 $0x1500  }
0x6: {  	s18 =	simm.s32 $0x2900;
	s19 =	simm.s32 $0x3D00;
	s20 =	simm.s32 $0x1  }
0x7: {  	s4 =	sand.u32 $0x1, s1;
	s6 =	smul.u32 $0x2710, s0;
	s1 =	rddreg [dreg:$0x3]  }
0x8: {  	s21 =	simm.s32 $0x0;
	[smem:$0x7FF] =	sst s3;
	s29 =	smul.u32 $0x27100, s0  }
0x9: {  	s7 =	smul.u32 $0x1388, s4;
	_ =	strace $0x80000047;
	s30 =	ssub.s32 $0x2, s4  }
0xa: {  	s9 =	smul.u32 $0x13880, s4;
	s4 =	sadd.s32 $0x30E00, s5;
	s8 =	sshrl.u32 s30, $0x1  }
0xb: {  	s10 =	sadd.s32 s29, s5;
	s6 =	sadd.s32 s7, s6;
	s31 =	ssub.s32 s30, s8  }
0xc: {  	s10 =	sadd.s32 s9, s10;
	s12 =	sshrl.u32 s6, $0x3;
	s6 =	smax.u32 s31, $0x1  }
0xd: {  	s7 =	sadd.s32 $0x58000, s10;
	s8 =	sadd.s32 $0x2C9000, s10;
	s9 =	sadd.s32 $0x53A000, s10  }
0xe: {  	s10 =	sadd.s32 $0x7AB000, s10;
	s13 =	sadd.s32 s12, s5;
	s5 =	sadd.s32 $0x9C00, s5  }
0xf: {  	s11 =	sadd.s32 s12, s11;
	s12 =	sadd.s32 $0x4C00, s13;
	s13 =	simm.s32 $0x2  }
.LBB2_1:
0x10: {  	[tilespmem:s3], [sflag:$0x2] =	stream.linear.gather [hbm4b:s12+s3], $0x28, $0x38;
	[tilespmem:$0x5100] =	vst v63  }
0x11: {  	_ =	swait.ge [sflag:s13], $0x28  }
0x12: {  	[sflag:s13] =	ssyncset.done $0x0  }
0x13: {  	[sflag:s13] =	ssyncadd.s32 $0xFFFFFFD8  }
0x14: {  	[tilespmem:s14], [sflag:$0x2] =	stream.linear.gather [hbm4b:s11+s3], $0x28, $0x38;
	[tilespmem:$0x5100] =	vst v63  }
0x15: {  	_ =	swait.ge [sflag:s13], $0x28  }
0x16: {  	[sflag:s13] =	ssyncset.done $0x0  }
0x17: {  	[sflag:s13] =	ssyncadd.s32 $0xFFFFFFD8  }
0x18: {  	[tilespmem:s16], [sflag:$0x1] =	stream.indirect.gather [hbm4b:s2+s15], $0x80, s3, s15, $0xb8;
	[tilespmem:$0x5100] =	vst v63  }
0x19: {  	_ = 	snop  }
0x1a: {  	[tilespmem:s17], [sflag:$0x1] =	stream.indirect.gather [hbm4b:s4+s15], $0x80, s14, s15, $0xb8;
	[tilespmem:$0x5100] =	vst v63  }
0x1b: {  	_ = 	snop  }
0x1c: {  	[tilespmem:s18], [sflag:$0x1] =	stream.indirect.gather [hbm4b:s5+s15], $0x80, s3, s15, $0xb8;
	[tilespmem:$0x5100] =	vst v63  }
0x1d: {  	_ = 	snop  }
0x1e: {  	[tilespmem:s19], [sflag:$0x1] =	stream.indirect.gather [hbm4b:s5+s15], $0x80, s14, s15, $0xb8;
	[tilespmem:$0x5100] =	vst v63  }
0x1f: {  	_ =	swait.ge [sflag:s20], $0x1400  }
0x20: {  	[sflag:s20] =	ssyncset.done $0x0  }
0x21: {  	[sflag:s20] =	ssyncadd.s32 $0xFFFFEC00  }
0x22: {  	_ =	swait.ge [sflag:s20], $0x1400  }
0x23: {  	[sflag:s20] =	ssyncset.done $0x0  }
0x24: {  	[sflag:s20] =	ssyncadd.s32 $0xFFFFEC00  }
0x25: {  	_ =	swait.ge [sflag:s20], $0x1400  }
0x26: {  	[sflag:s20] =	ssyncset.done $0x0  }
0x27: {  	[sflag:s20] =	ssyncadd.s32 $0xFFFFEC00  }
0x28: {  	_ =	swait.ge [sflag:s20], $0x1400  }
0x29: {  	[sflag:s20] =	ssyncset.done $0x0  }
0x2a: {  	s22 =	sadd.s32 $0x0, s7;
	[sflag:s20] =	ssyncadd.s32 $0xFFFFEC00  }
0x2b: {  	[hbm4b:s22+s3] =	stream.linear.scatter [tilespmem:s16], [sflag:$0x2], $0x1400, $0x38;
	[tilespmem:$0x5100] =	vst v63  }
0x2c: {  	_ =	swait.ge [sflag:s13], $0x1400  }
0x2d: {  	[sflag:s13] =	ssyncset.done $0x0  }
0x2e: {  	s29 =	sadd.s32 $0x0, s8;
	[sflag:s13] =	ssyncadd.s32 $0xFFFFEC00  }
0x2f: {  	[hbm4b:s29+s3] =	stream.linear.scatter [tilespmem:s17], [sflag:$0x2], $0x1400, $0x38;
	[tilespmem:$0x5100] =	vst v63  }
0x30: {  	_ =	swait.ge [sflag:s13], $0x1400  }
0x31: {  	[sflag:s13] =	ssyncset.done $0x0  }
0x32: {  	s30 =	sadd.s32 $0x0, s9;
	[sflag:s13] =	ssyncadd.s32 $0xFFFFEC00  }
0x33: {  	[hbm4b:s30+s3] =	stream.linear.scatter [tilespmem:s18], [sflag:$0x2], $0x1400, $0x38;
	[tilespmem:$0x5100] =	vst v63  }
0x34: {  	_ =	swait.ge [sflag:s13], $0x1400  }
0x35: {  	[sflag:s13] =	ssyncset.done $0x0  }
0x36: {  	s31 =	sadd.s32 $0x0, s10;
	[sflag:s13] =	ssyncadd.s32 $0xFFFFEC00  }
0x37: {  	[hbm4b:s31+s3] =	stream.linear.scatter [tilespmem:s19], [sflag:$0x2], $0x1400, $0x38;
	[tilespmem:$0x5100] =	vst v63  }
0x38: {  	s23 =	smov.u32 s11;
	_ =	swait.ge [sflag:s13], $0x1400  }
0x39: {  	s24 =	smov.u32 s12;
	s22 =	simm.s32 $0x280;
	[sflag:s13] =	ssyncset.done $0x0  }
.LBB2_2:
0x3a: {  	[sflag:s13] =	ssyncadd.s32 $0xFFFFEC00  }
0x3b: {  	s23 =	sadd.s32 $0x5, s23;
	s24 =	sadd.s32 $0x5, s24;
	s25 =	smov.u32 s22  }
0x3c: {  	[tilespmem:s3], [sflag:$0x2] =	stream.linear.gather [hbm4b:s24+s3], $0x28, $0x38;
	[tilespmem:$0x5100] =	vst v63  }
0x3d: {  	p0 =	sne.s32 s22, $0x13600;
	s22 =	sadd.s32 $0x280, s22;
	_ =	swait.ge [sflag:s13], $0x28  }
0x3e: {  	[sflag:s13] =	ssyncset.done $0x0  }
0x3f: {  	[sflag:s13] =	ssyncadd.s32 $0xFFFFFFD8  }
0x40: {  	[tilespmem:s14], [sflag:$0x2] =	stream.linear.gather [hbm4b:s23+s3], $0x28, $0x38;
	[tilespmem:$0x5100] =	vst v63  }
0x41: {  	_ =	swait.ge [sflag:s13], $0x28  }
0x42: {  	[sflag:s13] =	ssyncset.done $0x0  }
0x43: {  	[sflag:s13] =	ssyncadd.s32 $0xFFFFFFD8  }
0x44: {  	[tilespmem:s16], [sflag:$0x1] =	stream.indirect.gather [hbm4b:s2+s15], $0x80, s3, s15, $0xb8;
	[tilespmem:$0x5100] =	vst v63  }
0x45: {  	_ = 	snop  }
0x46: {  	[tilespmem:s17], [sflag:$0x1] =	stream.indirect.gather [hbm4b:s4+s15], $0x80, s14, s15, $0xb8;
	[tilespmem:$0x5100] =	vst v63  }
0x47: {  	_ = 	snop  }
0x48: {  	[tilespmem:s18], [sflag:$0x1] =	stream.indirect.gather [hbm4b:s5+s15], $0x80, s3, s15, $0xb8;
	[tilespmem:$0x5100] =	vst v63  }
0x49: {  	_ = 	snop  }
0x4a: {  	[tilespmem:s19], [sflag:$0x1] =	stream.indirect.gather [hbm4b:s5+s15], $0x80, s14, s15, $0xb8;
	[tilespmem:$0x5100] =	vst v63  }
0x4b: {  	_ =	swait.ge [sflag:s20], $0x1400  }
0x4c: {  	[sflag:s20] =	ssyncset.done $0x0  }
0x4d: {  	[sflag:s20] =	ssyncadd.s32 $0xFFFFEC00  }
0x4e: {  	_ =	swait.ge [sflag:s20], $0x1400  }
0x4f: {  	[sflag:s20] =	ssyncset.done $0x0  }
0x50: {  	[sflag:s20] =	ssyncadd.s32 $0xFFFFEC00  }
0x51: {  	_ =	swait.ge [sflag:s20], $0x1400  }
0x52: {  	[sflag:s20] =	ssyncset.done $0x0  }
0x53: {  	[sflag:s20] =	ssyncadd.s32 $0xFFFFEC00  }
0x54: {  	_ =	swait.ge [sflag:s20], $0x1400  }
0x55: {  	[sflag:s20] =	ssyncset.done $0x0  }
0x56: {  	s26 =	sadd.s32 s25, s7;
	[sflag:s20] =	ssyncadd.s32 $0xFFFFEC00  }
0x57: {  	[hbm4b:s26+s3] =	stream.linear.scatter [tilespmem:s16], [sflag:$0x2], $0x1400, $0x38;
	[tilespmem:$0x5100] =	vst v63  }
0x58: {  	_ =	swait.ge [sflag:s13], $0x1400  }
0x59: {  	[sflag:s13] =	ssyncset.done $0x0  }
0x5a: {  	s26 =	sadd.s32 s25, s8;
	[sflag:s13] =	ssyncadd.s32 $0xFFFFEC00  }
0x5b: {  	[hbm4b:s26+s3] =	stream.linear.scatter [tilespmem:s17], [sflag:$0x2], $0x1400, $0x38;
	[tilespmem:$0x5100] =	vst v63  }
0x5c: {  	_ =	swait.ge [sflag:s13], $0x1400  }
0x5d: {  	[sflag:s13] =	ssyncset.done $0x0  }
0x5e: {  	s26 =	sadd.s32 s25, s9;
	[sflag:s13] =	ssyncadd.s32 $0xFFFFEC00  }
0x5f: {  	[hbm4b:s26+s3] =	stream.linear.scatter [tilespmem:s18], [sflag:$0x2], $0x1400, $0x38;
	[tilespmem:$0x5100] =	vst v63  }
0x60: {  	_ =	swait.ge [sflag:s13], $0x1400  }
.Ltmp0:
0x61: {  	[sflag:s13] =	ssyncset.done $0x0;
	(pc) =	sbr.rel @p0 .LBB2_2-.Ltmp0, $4  }
0x62: {  	s25 =	sadd.s32 s25, s10;
	[sflag:s13] =	ssyncadd.s32 $0xFFFFEC00  }
0x63: {  	[hbm4b:s25+s3] =	stream.linear.scatter [tilespmem:s19], [sflag:$0x2], $0x1400, $0x38;
	[tilespmem:$0x5100] =	vst v63  }
0x64: {  	_ =	swait.ge [sflag:s13], $0x1400  }
0x65: {  	[sflag:s13] =	ssyncset.done $0x0  }
0x66: {  	s21 =	sadd.s32 $0x1, s21  }
0x67: {  	p0 =	sne.s32 s21, s6  }
.Ltmp1:
0x68: {  	_ = 	snop;
	(pc) =	sbr.rel @p0 .LBB2_1-.Ltmp1, $2  }
0x69: {  	_ =	sdelay $0x2  }
0x6a: {  	[sflag:s13] =	ssyncadd.s32 $0xFFFFEC00  }
0x6b: {  	_ =	sfence.sel $0x180000  }
0x6c: {  	[bflag:$0x0] =	sbarrier.arrive $0xFFFF  }
0x6d: {  	p0 =	sne.s32 s0, $0x0;
	_ =	strace $0x90000047  }
0x6e: {  	s0 =	sadd.s32 @!p0 $0x100000, s1;
	[bflag:$0x2] =	sbarrier.arrive $0xFFFF  }
0x6f: {  	[sflag:s0] =	ssyncadd.tile.s32 @!p0 $0x1;
	_ =	shalt  }
.Lfunc_end2:
_tile_overlayer_lowered:
.L_overlay_start_2:
0x70: {  	(tag) =	ssettag $0x2  }
0x71: {  	s0 =	rddreg [dreg:$0x0];
	s2 =	stileid.u32  }
0x72: {  	s1 =	rddreg [dreg:$0x1];
	p0 =	sne.s32 s2, $0x0  }
0x73: {  	s3 =	rddreg [dreg:$0x2];
	[bflag:$0x3] =	sbarrier.arrive $0xFFFF;
	s2 =	simm.s32 @!p0 $0x1C02  }
0x74: {  	[timem:s3], [sflag:s2] =	dma.local @!p0 [hbm:s0], s1  }
0x75: {  	s0 =	simm.s32 @!p0 $0x2  }
0x76: {  	_ =	swait.ge @!p0 [sflag:s0], s1  }
0x77: {  	s1 =	ssub.s32 @!p0 $0x0, s1;
	[sflag:s0] =	ssyncset.done @!p0 $0x0  }
0x78: {  	[sflag:s0] =	ssyncadd.s32 @!p0 s1  }
0x79: {  	[bflag:$0x3] =	sbarrier.arrive $0xFFFF  }
0x7a: {  	_ =	shalt  }

</sc_bundles>
